<compile_context>
chip_gen: v7x
topology: tpu7x:2x2x1
jax: 0.10.2.dev20260603
libtpu: 0.0.44.dev20260713+nightly
codegen_flags: <defaults>
</compile_context>

<pallas_src>
import functools

import jax
import jax.numpy as jnp
from jax import lax
from jax.experimental import pallas as pl
from jax.experimental.pallas import tpu as pltpu
from jax.experimental.pallas import tpu_sc as plsc

_NC = 2
_NS = 16
_NW = _NC * _NS

_KMAX = 128
_NBUF = 4


@functools.lru_cache(maxsize=None)
def _build(B, H, D):
    mesh = plsc.VectorSubcoreMesh(core_axis_name="c", subcore_axis_name="s")
    C = B // _NW

    segs = []
    o = 0
    while o < H:
        w = min(_KMAX, H - o)
        segs.append((o, w))
        o += w

    scratch = [
        pltpu.VMEM((C, H), jnp.int32),
        pltpu.VMEM((_NBUF, H, D), jnp.float32),
    ]
    scratch += [pltpu.SemaphoreType.DMA] * (2 * _NBUF)

    @functools.partial(
        pl.kernel,
        mesh=mesh,
        out_type=jax.ShapeDtypeStruct((B, H, D), jnp.float32),
        scratch_types=scratch,
        compiler_params=pltpu.CompilerParams(use_tc_tiling_on_sc=False),
    )
    def emb(idx_hbm, tab_hbm, out_hbm, idx_v, rows_v, *sems):
        gsem = sems[:_NBUF]
        ssem = sems[_NBUF:]
        wid = lax.axis_index("s") * _NC + lax.axis_index("c")
        base = wid * C

        pltpu.sync_copy(idx_hbm.at[pl.ds(base, C)], idx_v)

        def g_start(j, b):
            for (o, w) in segs:
                pltpu.make_async_copy(
                    tab_hbm.at[idx_v.at[j, pl.ds(o, w)]],
                    rows_v.at[b, pl.ds(o, w)], gsem[b]).start()

        def g_wait(j, b):
            for (o, w) in segs:
                pltpu.make_async_copy(
                    tab_hbm.at[idx_v.at[j, pl.ds(o, w)]],
                    rows_v.at[b, pl.ds(o, w)], gsem[b]).wait()

        def s_copy(j, b):
            return pltpu.make_async_copy(
                rows_v.at[b], out_hbm.at[base + j], ssem[b])

        G = C // _NBUF

        for b in range(_NBUF):
            g_start(b, b)

        for b in range(_NBUF):
            g_wait(b, b)
            s_copy(b, b).start()
            if b >= 1:
                s_copy(b - 1, b - 1).wait()
                g_start(b + _NBUF - 1, b - 1)

        def group(g, carry):
            for b in range(_NBUF):
                j = g * _NBUF + b
                g_wait(j, b)
                s_copy(j, b).start()
                bp = (b - 1) % _NBUF
                s_copy(j - 1, bp).wait()
                g_start(j + _NBUF - 1, bp)
            return carry

        lax.fori_loop(1, G - 1, group, 0)

        for b in range(_NBUF):
            j = (G - 1) * _NBUF + b
            g_wait(j, b)
            s_copy(j, b).start()
            bp = (b - 1) % _NBUF
            if b == 0:
                s_copy(j - 1, bp).wait()
                g_start(j + _NBUF - 1, bp)
            else:
                s_copy(j - 1, bp).wait()
        s_copy(C - 1, _NBUF - 1).wait()

    return emb


def kernel(input, weight):
    B, H = input.shape
    V, D = weight.shape
    assert B % _NW == 0 and (B // _NW) % _NBUF == 0
    idx = input.astype(jnp.int32)
    return _build(B, H, D)(idx, weight)

# --- scband reference (transcript-rebuilt; emitter-appended) ---
"""Pipeline reference for scband-embedding-layer-12146167513504 (READ-ONLY COPY).

The authoritative reference and input builder live on the scoring server;
editing this copy changes nothing except your own understanding.
"""

import jax, jax.numpy as jnp
import numpy as np

VOCAB = 1000000
EMBED_DIM = 64
BATCH = 4096
HIST = 200

def setup_inputs(seed: int = 0) -> dict:
    key = jax.random.key(seed)
    k_idx, k_w = jax.random.split(key)
    indices = jax.random.randint(k_idx, (BATCH, HIST), 0, VOCAB, dtype=jnp.int64 if jax.config.jax_enable_x64 else jnp.int32)
    weight = jax.random.normal(k_w, (VOCAB, EMBED_DIM), dtype=jnp.float32)
    return {"input": indices, "weight": weight}

def reference(input, weight):
    # EmbeddingLayer.forward: embedded_words = self.word_embedding(input)
    # (dropout module is constructed but never applied in forward)
    embedded_words = jnp.take(weight, input, axis=0)
    return embedded_words

if __name__ == "__main__":
    import jax
    _d = setup_inputs()
    print(jax.jit(kernel)(*tuple(_d.values())))

</pallas_src>

<mosaic_0001>
#map = affine_map<(d0, d1) -> (0, 0)>
#map1 = affine_map<(d0, d1) -> (0, 0, 0)>
module attributes {stable_mosaic.version = 14 : i64} {
  func.func @emb(%arg0: i32, %arg1: i32, %arg2: memref<4096x200xi32, #tpu.memory_space<hbm>>, %arg3: memref<1000000x64xf32, #tpu.memory_space<hbm>>, %arg4: memref<4096x200x64xf32, #tpu.memory_space<hbm>>, %arg5: memref<128x200xi32, #tpu.memory_space<vmem>>, %arg6: memref<4x200x64xf32, #tpu.memory_space<vmem>>, %arg7: memref<!tpu.dma_semaphore, #tpu.memory_space<semaphore_mem>>, %arg8: memref<!tpu.dma_semaphore, #tpu.memory_space<semaphore_mem>>, %arg9: memref<!tpu.dma_semaphore, #tpu.memory_space<semaphore_mem>>, %arg10: memref<!tpu.dma_semaphore, #tpu.memory_space<semaphore_mem>>, %arg11: memref<!tpu.dma_semaphore, #tpu.memory_space<semaphore_mem>>, %arg12: memref<!tpu.dma_semaphore, #tpu.memory_space<semaphore_mem>>, %arg13: memref<!tpu.dma_semaphore, #tpu.memory_space<semaphore_mem>>, %arg14: memref<!tpu.dma_semaphore, #tpu.memory_space<semaphore_mem>>) attributes {dimension_semantics = [#tpu.dimension_semantics<core_parallel>, #tpu.dimension_semantics<subcore_parallel>], iteration_bounds = array<i64: 2, 16>, scalar_prefetch = 0 : i64, scratch_operands = 10 : i64, tpu.core_type = #tpu.core_type<sc_vector_subcore>, window_params = [{transform_indices = #map}, {transform_indices = #map}, {transform_indices = #map1}]} {
    %mul3A = arith.constant 2 : i32
    %mul3A_0 = arith.muli %arg1, %mul3A : i32
    %add3A = arith.addi %mul3A_0, %arg0 : i32
    %mul3A_1 = arith.constant 128 : i32
    %mul3A_2 = arith.muli %add3A, %mul3A_1 : i32
    "tpu.region"() ({
      %run_scoped3A = tpu.sem_alloc : memref<!tpu.dma_semaphore, #tpu.memory_space<semaphore_mem>>
      %dma_start3A_694 = arith.constant 0 : i32
      %dma_start3A_695 = tpu.memref_slice %arg2[%mul3A_2, %dma_start3A_694] : memref<4096x200xi32, #tpu.memory_space<hbm>> -> memref<128x200xi32, #tpu.memory_space<hbm>>
      %dma_start3A_696 = arith.constant 0 : i32
      %dma_start3A_697 = tpu.memref_slice %arg2[%mul3A_2, %dma_start3A_696] : memref<4096x200xi32, #tpu.memory_space<hbm>> -> memref<128x200xi32, #tpu.memory_space<hbm>>
      tpu.enqueue_dma source(%dma_start3A_697 : memref<128x200xi32, #tpu.memory_space<hbm>>) target(%arg5 : memref<128x200xi32, #tpu.memory_space<vmem>>) target_semaphore(%run_scoped3A : memref<!tpu.dma_semaphore, #tpu.memory_space<semaphore_mem>>)
      %dma_wait3A_698 = arith.constant 0 : i32
      %dma_wait3A_699 = tpu.memref_slice %arg2[%mul3A_2, %dma_wait3A_698] : memref<4096x200xi32, #tpu.memory_space<hbm>> -> memref<128x200xi32, #tpu.memory_space<hbm>>
      %dma_wait3A_700 = arith.constant 0 : i32
      %dma_wait3A_701 = tpu.memref_slice %arg2[%mul3A_2, %dma_wait3A_700] : memref<4096x200xi32, #tpu.memory_space<hbm>> -> memref<128x200xi32, #tpu.memory_space<hbm>>
      tpu.wait_dma2 semaphore(%run_scoped3A : memref<!tpu.dma_semaphore, #tpu.memory_space<semaphore_mem>>) src(%dma_wait3A_701 : memref<128x200xi32, #tpu.memory_space<hbm>>) dst(%arg5 : memref<128x200xi32, #tpu.memory_space<vmem>>)
      tpu.yield
    }) : () -> ()
    %dma_start3A = arith.constant 0 : i32
    %dma_start3A_3 = arith.constant 0 : i32
    %dma_start3A_4 = arith.constant 0 : i32
    %dma_start3A_5 = arith.constant 0 : i32
    %dma_start3A_6 = tpu.memref_slice %arg6[%dma_start3A_3, %dma_start3A_4, %dma_start3A_5] : memref<4x200x64xf32, #tpu.memory_space<vmem>> -> memref<1x128x64xf32, #tpu.memory_space<vmem>>
    %dma_start3A_7 = tpu.memref_squeeze %dma_start3A_6 : memref<1x128x64xf32, #tpu.memory_space<vmem>> -> memref<128x64xf32, #tpu.memory_space<vmem>>
    %dma_start3A_8 = arith.constant 0 : i32
    %dma_start3A_9 = tpu.memref_slice %arg5[%dma_start3A, %dma_start3A_8] : memref<128x200xi32, #tpu.memory_space<vmem>> -> memref<1x128xi32, #tpu.memory_space<vmem>>
    %dma_start3A_10 = tpu.memref_squeeze %dma_start3A_9 : memref<1x128xi32, #tpu.memory_space<vmem>> -> memref<128xi32, #tpu.memory_space<vmem>>
    %dma_start3A_11 = arith.constant 0 : i32
    %dma_start3A_12 = arith.constant 0 : i32
    %dma_start3A_13 = tpu.memref_slice %arg3[%dma_start3A_11, %dma_start3A_12] : memref<1000000x64xf32, #tpu.memory_space<hbm>> -> memref<1000000x64xf32, #tpu.memory_space<hbm>>
    tpu.enqueue_indirect_dma source(%dma_start3A_13 : memref<1000000x64xf32, #tpu.memory_space<hbm>>) target(%dma_start3A_7 : memref<128x64xf32, #tpu.memory_space<vmem>>) offsets(%dma_start3A_10 : memref<128xi32, #tpu.memory_space<vmem>>) semaphore(%arg7 : memref<!tpu.dma_semaphore, #tpu.memory_space<semaphore_mem>>)
    %dma_start3A_14 = arith.constant 0 : i32
    %dma_start3A_15 = arith.constant 0 : i32
    %dma_start3A_16 = arith.constant 128 : i32
    %dma_start3A_17 = arith.constant 0 : i32
    %dma_start3A_18 = tpu.memref_slice %arg6[%dma_start3A_15, %dma_start3A_16, %dma_start3A_17] : memref<4x200x64xf32, #tpu.memory_space<vmem>> -> memref<1x72x64xf32, #tpu.memory_space<vmem>>
    %dma_start3A_19 = tpu.memref_squeeze %dma_start3A_18 : memref<1x72x64xf32, #tpu.memory_space<vmem>> -> memref<72x64xf32, #tpu.memory_space<vmem>>
    %dma_start3A_20 = arith.constant 128 : i32
    %dma_start3A_21 = tpu.memref_slice %arg5[%dma_start3A_14, %dma_start3A_20] : memref<128x200xi32, #tpu.memory_space<vmem>> -> memref<1x72xi32, #tpu.memory_space<vmem>>
    %dma_start3A_22 = tpu.memref_squeeze %dma_start3A_21 : memref<1x72xi32, #tpu.memory_space<vmem>> -> memref<72xi32, #tpu.memory_space<vmem>>
    %dma_start3A_23 = arith.constant 0 : i32
    %dma_start3A_24 = arith.constant 0 : i32
    %dma_start3A_25 = tpu.memref_slice %arg3[%dma_start3A_23, %dma_start3A_24] : memref<1000000x64xf32, #tpu.memory_space<hbm>> -> memref<1000000x64xf32, #tpu.memory_space<hbm>>
    tpu.enqueue_indirect_dma source(%dma_start3A_25 : memref<1000000x64xf32, #tpu.memory_space<hbm>>) target(%dma_start3A_19 : memref<72x64xf32, #tpu.memory_space<vmem>>) offsets(%dma_start3A_22 : memref<72xi32, #tpu.memory_space<vmem>>) semaphore(%arg7 : memref<!tpu.dma_semaphore, #tpu.memory_space<semaphore_mem>>)
    %dma_start3A_26 = arith.constant 1 : i32
    %dma_start3A_27 = arith.constant 1 : i32
    %dma_start3A_28 = arith.constant 0 : i32
    %dma_start3A_29 = arith.constant 0 : i32
    %dma_start3A_30 = tpu.memref_slice %arg6[%dma_start3A_27, %dma_start3A_28, %dma_start3A_29] : memref<4x200x64xf32, #tpu.memory_space<vmem>> -> memref<1x128x64xf32, #tpu.memory_space<vmem>>
    %dma_start3A_31 = tpu.memref_squeeze %dma_start3A_30 : memref<1x128x64xf32, #tpu.memory_space<vmem>> -> memref<128x64xf32, #tpu.memory_space<vmem>>
    %dma_start3A_32 = arith.constant 0 : i32
    %dma_start3A_33 = tpu.memref_slice %arg5[%dma_start3A_26, %dma_start3A_32] : memref<128x200xi32, #tpu.memory_space<vmem>> -> memref<1x128xi32, #tpu.memory_space<vmem>>
    %dma_start3A_34 = tpu.memref_squeeze %dma_start3A_33 : memref<1x128xi32, #tpu.memory_space<vmem>> -> memref<128xi32, #tpu.memory_space<vmem>>
    %dma_start3A_35 = arith.constant 0 : i32
    %dma_start3A_36 = arith.constant 0 : i32
    %dma_start3A_37 = tpu.memref_slice %arg3[%dma_start3A_35, %dma_start3A_36] : memref<1000000x64xf32, #tpu.memory_space<hbm>> -> memref<1000000x64xf32, #tpu.memory_space<hbm>>
    tpu.enqueue_indirect_dma source(%dma_start3A_37 : memref<1000000x64xf32, #tpu.memory_space<hbm>>) target(%dma_start3A_31 : memref<128x64xf32, #tpu.memory_space<vmem>>) offsets(%dma_start3A_34 : memref<128xi32, #tpu.memory_space<vmem>>) semaphore(%arg8 : memref<!tpu.dma_semaphore, #tpu.memory_space<semaphore_mem>>)
    %dma_start3A_38 = arith.constant 1 : i32
    %dma_start3A_39 = arith.constant 1 : i32
    %dma_start3A_40 = arith.constant 128 : i32
    %dma_start3A_41 = arith.constant 0 : i32
    %dma_start3A_42 = tpu.memref_slice %arg6[%dma_start3A_39, %dma_start3A_40, %dma_start3A_41] : memref<4x200x64xf32, #tpu.memory_space<vmem>> -> memref<1x72x64xf32, #tpu.memory_space<vmem>>
    %dma_start3A_43 = tpu.memref_squeeze %dma_start3A_42 : memref<1x72x64xf32, #tpu.memory_space<vmem>> -> memref<72x64xf32, #tpu.memory_space<vmem>>
    %dma_start3A_44 = arith.constant 128 : i32
    %dma_start3A_45 = tpu.memref_slice %arg5[%dma_start3A_38, %dma_start3A_44] : memref<128x200xi32, #tpu.memory_space<vmem>> -> memref<1x72xi32, #tpu.memory_space<vmem>>
    %dma_start3A_46 = tpu.memref_squeeze %dma_start3A_45 : memref<1x72xi32, #tpu.memory_space<vmem>> -> memref<72xi32, #tpu.memory_space<vmem>>
    %dma_start3A_47 = arith.constant 0 : i32
    %dma_start3A_48 = arith.constant 0 : i32
    %dma_start3A_49 = tpu.memref_slice %arg3[%dma_start3A_47, %dma_start3A_48] : memref<1000000x64xf32, #tpu.memory_space<hbm>> -> memref<1000000x64xf32, #tpu.memory_space<hbm>>
    tpu.enqueue_indirect_dma source(%dma_start3A_49 : memref<1000000x64xf32, #tpu.memory_space<hbm>>) target(%dma_start3A_43 : memref<72x64xf32, #tpu.memory_space<vmem>>) offsets(%dma_start3A_46 : memref<72xi32, #tpu.memory_space<vmem>>) semaphore(%arg8 : memref<!tpu.dma_semaphore, #tpu.memory_space<semaphore_mem>>)
    %dma_start3A_50 = arith.constant 2 : i32
    %dma_start3A_51 = arith.constant 2 : i32
    %dma_start3A_52 = arith.constant 0 : i32
    %dma_start3A_53 = arith.constant 0 : i32
    %dma_start3A_54 = tpu.memref_slice %arg6[%dma_start3A_51, %dma_start3A_52, %dma_start3A_53] : memref<4x200x64xf32, #tpu.memory_space<vmem>> -> memref<1x128x64xf32, #tpu.memory_space<vmem>>
    %dma_start3A_55 = tpu.memref_squeeze %dma_start3A_54 : memref<1x128x64xf32, #tpu.memory_space<vmem>> -> memref<128x64xf32, #tpu.memory_space<vmem>>
    %dma_start3A_56 = arith.constant 0 : i32
    %dma_start3A_57 = tpu.memref_slice %arg5[%dma_start3A_50, %dma_start3A_56] : memref<128x200xi32, #tpu.memory_space<vmem>> -> memref<1x128xi32, #tpu.memory_space<vmem>>
    %dma_start3A_58 = tpu.memref_squeeze %dma_start3A_57 : memref<1x128xi32, #tpu.memory_space<vmem>> -> memref<128xi32, #tpu.memory_space<vmem>>
    %dma_start3A_59 = arith.constant 0 : i32
    %dma_start3A_60 = arith.constant 0 : i32
    %dma_start3A_61 = tpu.memref_slice %arg3[%dma_start3A_59, %dma_start3A_60] : memref<1000000x64xf32, #tpu.memory_space<hbm>> -> memref<1000000x64xf32, #tpu.memory_space<hbm>>
    tpu.enqueue_indirect_dma source(%dma_start3A_61 : memref<1000000x64xf32, #tpu.memory_space<hbm>>) target(%dma_start3A_55 : memref<128x64xf32, #tpu.memory_space<vmem>>) offsets(%dma_start3A_58 : memref<128xi32, #tpu.memory_space<vmem>>) semaphore(%arg9 : memref<!tpu.dma_semaphore, #tpu.memory_space<semaphore_mem>>)
    %dma_start3A_62 = arith.constant 2 : i32
    %dma_start3A_63 = arith.constant 2 : i32
    %dma_start3A_64 = arith.constant 128 : i32
    %dma_start3A_65 = arith.constant 0 : i32
    %dma_start3A_66 = tpu.memref_slice %arg6[%dma_start3A_63, %dma_start3A_64, %dma_start3A_65] : memref<4x200x64xf32, #tpu.memory_space<vmem>> -> memref<1x72x64xf32, #tpu.memory_space<vmem>>
    %dma_start3A_67 = tpu.memref_squeeze %dma_start3A_66 : memref<1x72x64xf32, #tpu.memory_space<vmem>> -> memref<72x64xf32, #tpu.memory_space<vmem>>
    %dma_start3A_68 = arith.constant 128 : i32
    %dma_start3A_69 = tpu.memref_slice %arg5[%dma_start3A_62, %dma_start3A_68] : memref<128x200xi32, #tpu.memory_space<vmem>> -> memref<1x72xi32, #tpu.memory_space<vmem>>
    %dma_start3A_70 = tpu.memref_squeeze %dma_start3A_69 : memref<1x72xi32, #tpu.memory_space<vmem>> -> memref<72xi32, #tpu.memory_space<vmem>>
    %dma_start3A_71 = arith.constant 0 : i32
    %dma_start3A_72 = arith.constant 0 : i32
    %dma_start3A_73 = tpu.memref_slice %arg3[%dma_start3A_71, %dma_start3A_72] : memref<1000000x64xf32, #tpu.memory_space<hbm>> -> memref<1000000x64xf32, #tpu.memory_space<hbm>>
    tpu.enqueue_indirect_dma source(%dma_start3A_73 : memref<1000000x64xf32, #tpu.memory_space<hbm>>) target(%dma_start3A_67 : memref<72x64xf32, #tpu.memory_space<vmem>>) offsets(%dma_start3A_70 : memref<72xi32, #tpu.memory_space<vmem>>) semaphore(%arg9 : memref<!tpu.dma_semaphore, #tpu.memory_space<semaphore_mem>>)
    %dma_start3A_74 = arith.constant 3 : i32
    %dma_start3A_75 = arith.constant 3 : i32
    %dma_start3A_76 = arith.constant 0 : i32
    %dma_start3A_77 = arith.constant 0 : i32
    %dma_start3A_78 = tpu.memref_slice %arg6[%dma_start3A_75, %dma_start3A_76, %dma_start3A_77] : memref<4x200x64xf32, #tpu.memory_space<vmem>> -> memref<1x128x64xf32, #tpu.memory_space<vmem>>
    %dma_start3A_79 = tpu.memref_squeeze %dma_start3A_78 : memref<1x128x64xf32, #tpu.memory_space<vmem>> -> memref<128x64xf32, #tpu.memory_space<vmem>>
    %dma_start3A_80 = arith.constant 0 : i32
    %dma_start3A_81 = tpu.memref_slice %arg5[%dma_start3A_74, %dma_start3A_80] : memref<128x200xi32, #tpu.memory_space<vmem>> -> memref<1x128xi32, #tpu.memory_space<vmem>>
    %dma_start3A_82 = tpu.memref_squeeze %dma_start3A_81 : memref<1x128xi32, #tpu.memory_space<vmem>> -> memref<128xi32, #tpu.memory_space<vmem>>
    %dma_start3A_83 = arith.constant 0 : i32
    %dma_start3A_84 = arith.constant 0 : i32
    %dma_start3A_85 = tpu.memref_slice %arg3[%dma_start3A_83, %dma_start3A_84] : memref<1000000x64xf32, #tpu.memory_space<hbm>> -> memref<1000000x64xf32, #tpu.memory_space<hbm>>
    tpu.enqueue_indirect_dma source(%dma_start3A_85 : memref<1000000x64xf32, #tpu.memory_space<hbm>>) target(%dma_start3A_79 : memref<128x64xf32, #tpu.memory_space<vmem>>) offsets(%dma_start3A_82 : memref<128xi32, #tpu.memory_space<vmem>>) semaphore(%arg10 : memref<!tpu.dma_semaphore, #tpu.memory_space<semaphore_mem>>)
    %dma_start3A_86 = arith.constant 3 : i32
    %dma_start3A_87 = arith.constant 3 : i32
    %dma_start3A_88 = arith.constant 128 : i32
    %dma_start3A_89 = arith.constant 0 : i32
    %dma_start3A_90 = tpu.memref_slice %arg6[%dma_start3A_87, %dma_start3A_88, %dma_start3A_89] : memref<4x200x64xf32, #tpu.memory_space<vmem>> -> memref<1x72x64xf32, #tpu.memory_space<vmem>>
    %dma_start3A_91 = tpu.memref_squeeze %dma_start3A_90 : memref<1x72x64xf32, #tpu.memory_space<vmem>> -> memref<72x64xf32, #tpu.memory_space<vmem>>
    %dma_start3A_92 = arith.constant 128 : i32
    %dma_start3A_93 = tpu.memref_slice %arg5[%dma_start3A_86, %dma_start3A_92] : memref<128x200xi32, #tpu.memory_space<vmem>> -> memref<1x72xi32, #tpu.memory_space<vmem>>
    %dma_start3A_94 = tpu.memref_squeeze %dma_start3A_93 : memref<1x72xi32, #tpu.memory_space<vmem>> -> memref<72xi32, #tpu.memory_space<vmem>>
    %dma_start3A_95 = arith.constant 0 : i32
    %dma_start3A_96 = arith.constant 0 : i32
    %dma_start3A_97 = tpu.memref_slice %arg3[%dma_start3A_95, %dma_start3A_96] : memref<1000000x64xf32, #tpu.memory_space<hbm>> -> memref<1000000x64xf32, #tpu.memory_space<hbm>>
    tpu.enqueue_indirect_dma source(%dma_start3A_97 : memref<1000000x64xf32, #tpu.memory_space<hbm>>) target(%dma_start3A_91 : memref<72x64xf32, #tpu.memory_space<vmem>>) offsets(%dma_start3A_94 : memref<72xi32, #tpu.memory_space<vmem>>) semaphore(%arg10 : memref<!tpu.dma_semaphore, #tpu.memory_space<semaphore_mem>>)
    %dma_wait3A = arith.constant 0 : i32
    %dma_wait3A_98 = arith.constant 0 : i32
    %dma_wait3A_99 = arith.constant 0 : i32
    %dma_wait3A_100 = arith.constant 0 : i32
    %dma_wait3A_101 = tpu.memref_slice %arg6[%dma_wait3A_98, %dma_wait3A_99, %dma_wait3A_100] : memref<4x200x64xf32, #tpu.memory_space<vmem>> -> memref<1x128x64xf32, #tpu.memory_space<vmem>>
    %dma_wait3A_102 = tpu.memref_squeeze %dma_wait3A_101 : memref<1x128x64xf32, #tpu.memory_space<vmem>> -> memref<128x64xf32, #tpu.memory_space<vmem>>
    %dma_wait3A_103 = arith.constant 0 : i32
    %dma_wait3A_104 = tpu.memref_slice %arg5[%dma_wait3A, %dma_wait3A_103] : memref<128x200xi32, #tpu.memory_space<vmem>> -> memref<1x128xi32, #tpu.memory_space<vmem>>
    %dma_wait3A_105 = tpu.memref_squeeze %dma_wait3A_104 : memref<1x128xi32, #tpu.memory_space<vmem>> -> memref<128xi32, #tpu.memory_space<vmem>>
    %dma_wait3A_106 = arith.constant 0 : i32
    %dma_wait3A_107 = arith.constant 0 : i32
    %dma_wait3A_108 = tpu.memref_slice %arg3[%dma_wait3A_106, %dma_wait3A_107] : memref<1000000x64xf32, #tpu.memory_space<hbm>> -> memref<1000000x64xf32, #tpu.memory_space<hbm>>
    tpu.wait_indirect_dma semaphore(%arg7 : memref<!tpu.dma_semaphore, #tpu.memory_space<semaphore_mem>>) src(%dma_wait3A_108 : memref<1000000x64xf32, #tpu.memory_space<hbm>>) dst(%dma_wait3A_102 : memref<128x64xf32, #tpu.memory_space<vmem>>)
    %dma_wait3A_109 = arith.constant 0 : i32
    %dma_wait3A_110 = arith.constant 0 : i32
    %dma_wait3A_111 = arith.constant 128 : i32
    %dma_wait3A_112 = arith.constant 0 : i32
    %dma_wait3A_113 = tpu.memref_slice %arg6[%dma_wait3A_110, %dma_wait3A_111, %dma_wait3A_112] : memref<4x200x64xf32, #tpu.memory_space<vmem>> -> memref<1x72x64xf32, #tpu.memory_space<vmem>>
    %dma_wait3A_114 = tpu.memref_squeeze %dma_wait3A_113 : memref<1x72x64xf32, #tpu.memory_space<vmem>> -> memref<72x64xf32, #tpu.memory_space<vmem>>
    %dma_wait3A_115 = arith.constant 128 : i32
    %dma_wait3A_116 = tpu.memref_slice %arg5[%dma_wait3A_109, %dma_wait3A_115] : memref<128x200xi32, #tpu.memory_space<vmem>> -> memref<1x72xi32, #tpu.memory_space<vmem>>
    %dma_wait3A_117 = tpu.memref_squeeze %dma_wait3A_116 : memref<1x72xi32, #tpu.memory_space<vmem>> -> memref<72xi32, #tpu.memory_space<vmem>>
    %dma_wait3A_118 = arith.constant 0 : i32
    %dma_wait3A_119 = arith.constant 0 : i32
    %dma_wait3A_120 = tpu.memref_slice %arg3[%dma_wait3A_118, %dma_wait3A_119] : memref<1000000x64xf32, #tpu.memory_space<hbm>> -> memref<1000000x64xf32, #tpu.memory_space<hbm>>
    tpu.wait_indirect_dma semaphore(%arg7 : memref<!tpu.dma_semaphore, #tpu.memory_space<semaphore_mem>>) src(%dma_wait3A_120 : memref<1000000x64xf32, #tpu.memory_space<hbm>>) dst(%dma_wait3A_114 : memref<72x64xf32, #tpu.memory_space<vmem>>)
    %add3A_121 = arith.constant 0 : i32
    %add3A_122 = arith.addi %mul3A_2, %add3A_121 : i32
    %dma_start3A_123 = arith.constant 0 : i32
    %dma_start3A_124 = arith.constant 0 : i32
    %dma_start3A_125 = arith.constant 0 : i32
    %dma_start3A_126 = tpu.memref_slice %arg6[%dma_start3A_123, %dma_start3A_124, %dma_start3A_125] : memref<4x200x64xf32, #tpu.memory_space<vmem>> -> memref<1x200x64xf32, #tpu.memory_space<vmem>>
    %dma_start3A_127 = tpu.memref_squeeze %dma_start3A_126 : memref<1x200x64xf32, #tpu.memory_space<vmem>> -> memref<200x64xf32, #tpu.memory_space<vmem>>
    %dma_start3A_128 = arith.constant 0 : i32
    %dma_start3A_129 = arith.constant 0 : i32
    %dma_start3A_130 = tpu.memref_slice %arg4[%add3A_122, %dma_start3A_128, %dma_start3A_129] : memref<4096x200x64xf32, #tpu.memory_space<hbm>> -> memref<1x200x64xf32, #tpu.memory_space<hbm>>
    %dma_start3A_131 = tpu.memref_squeeze %dma_start3A_130 : memref<1x200x64xf32, #tpu.memory_space<hbm>> -> memref<200x64xf32, #tpu.memory_space<hbm>>
    %dma_start3A_132 = arith.constant 0 : i32
    %dma_start3A_133 = arith.constant 0 : i32
    %dma_start3A_134 = tpu.memref_slice %arg4[%add3A_122, %dma_start3A_132, %dma_start3A_133] : memref<4096x200x64xf32, #tpu.memory_space<hbm>> -> memref<1x200x64xf32, #tpu.memory_space<hbm>>
    %dma_start3A_135 = tpu.memref_squeeze %dma_start3A_134 : memref<1x200x64xf32, #tpu.memory_space<hbm>> -> memref<200x64xf32, #tpu.memory_space<hbm>>
    %dma_start3A_136 = arith.constant 0 : i32
    %dma_start3A_137 = arith.constant 0 : i32
    %dma_start3A_138 = tpu.memref_slice %arg6[%dma_start3A_123, %dma_start3A_136, %dma_start3A_137] : memref<4x200x64xf32, #tpu.memory_space<vmem>> -> memref<1x200x64xf32, #tpu.memory_space<vmem>>
    %dma_start3A_139 = tpu.memref_squeeze %dma_start3A_138 : memref<1x200x64xf32, #tpu.memory_space<vmem>> -> memref<200x64xf32, #tpu.memory_space<vmem>>
    tpu.enqueue_dma source(%dma_start3A_139 : memref<200x64xf32, #tpu.memory_space<vmem>>) target(%dma_start3A_135 : memref<200x64xf32, #tpu.memory_space<hbm>>) target_semaphore(%arg11 : memref<!tpu.dma_semaphore, #tpu.memory_space<semaphore_mem>>)
    %dma_wait3A_140 = arith.constant 1 : i32
    %dma_wait3A_141 = arith.constant 1 : i32
    %dma_wait3A_142 = arith.constant 0 : i32
    %dma_wait3A_143 = arith.constant 0 : i32
    %dma_wait3A_144 = tpu.memref_slice %arg6[%dma_wait3A_141, %dma_wait3A_142, %dma_wait3A_143] : memref<4x200x64xf32, #tpu.memory_space<vmem>> -> memref<1x128x64xf32, #tpu.memory_space<vmem>>
    %dma_wait3A_145 = tpu.memref_squeeze %dma_wait3A_144 : memref<1x128x64xf32, #tpu.memory_space<vmem>> -> memref<128x64xf32, #tpu.memory_space<vmem>>
    %dma_wait3A_146 = arith.constant 0 : i32
    %dma_wait3A_147 = tpu.memref_slice %arg5[%dma_wait3A_140, %dma_wait3A_146] : memref<128x200xi32, #tpu.memory_space<vmem>> -> memref<1x128xi32, #tpu.memory_space<vmem>>
    %dma_wait3A_148 = tpu.memref_squeeze %dma_wait3A_147 : memref<1x128xi32, #tpu.memory_space<vmem>> -> memref<128xi32, #tpu.memory_space<vmem>>
    %dma_wait3A_149 = arith.constant 0 : i32
    %dma_wait3A_150 = arith.constant 0 : i32
    %dma_wait3A_151 = tpu.memref_slice %arg3[%dma_wait3A_149, %dma_wait3A_150] : memref<1000000x64xf32, #tpu.memory_space<hbm>> -> memref<1000000x64xf32, #tpu.memory_space<hbm>>
    tpu.wait_indirect_dma semaphore(%arg8 : memref<!tpu.dma_semaphore, #tpu.memory_space<semaphore_mem>>) src(%dma_wait3A_151 : memref<1000000x64xf32, #tpu.memory_space<hbm>>) dst(%dma_wait3A_145 : memref<128x64xf32, #tpu.memory_space<vmem>>)
    %dma_wait3A_152 = arith.constant 1 : i32
    %dma_wait3A_153 = arith.constant 1 : i32
    %dma_wait3A_154 = arith.constant 128 : i32
    %dma_wait3A_155 = arith.constant 0 : i32
    %dma_wait3A_156 = tpu.memref_slice %arg6[%dma_wait3A_153, %dma_wait3A_154, %dma_wait3A_155] : memref<4x200x64xf32, #tpu.memory_space<vmem>> -> memref<1x72x64xf32, #tpu.memory_space<vmem>>
    %dma_wait3A_157 = tpu.memref_squeeze %dma_wait3A_156 : memref<1x72x64xf32, #tpu.memory_space<vmem>> -> memref<72x64xf32, #tpu.memory_space<vmem>>
    %dma_wait3A_158 = arith.constant 128 : i32
    %dma_wait3A_159 = tpu.memref_slice %arg5[%dma_wait3A_152, %dma_wait3A_158] : memref<128x200xi32, #tpu.memory_space<vmem>> -> memref<1x72xi32, #tpu.memory_space<vmem>>
    %dma_wait3A_160 = tpu.memref_squeeze %dma_wait3A_159 : memref<1x72xi32, #tpu.memory_space<vmem>> -> memref<72xi32, #tpu.memory_space<vmem>>
    %dma_wait3A_161 = arith.constant 0 : i32
    %dma_wait3A_162 = arith.constant 0 : i32
    %dma_wait3A_163 = tpu.memref_slice %arg3[%dma_wait3A_161, %dma_wait3A_162] : memref<1000000x64xf32, #tpu.memory_space<hbm>> -> memref<1000000x64xf32, #tpu.memory_space<hbm>>
    tpu.wait_indirect_dma semaphore(%arg8 : memref<!tpu.dma_semaphore, #tpu.memory_space<semaphore_mem>>) src(%dma_wait3A_163 : memref<1000000x64xf32, #tpu.memory_space<hbm>>) dst(%dma_wait3A_157 : memref<72x64xf32, #tpu.memory_space<vmem>>)
    %add3A_164 = arith.constant 1 : i32
    %add3A_165 = arith.addi %mul3A_2, %add3A_164 : i32
    %dma_start3A_166 = arith.constant 1 : i32
    %dma_start3A_167 = arith.constant 0 : i32
    %dma_start3A_168 = arith.constant 0 : i32
    %dma_start3A_169 = tpu.memref_slice %arg6[%dma_start3A_166, %dma_start3A_167, %dma_start3A_168] : memref<4x200x64xf32, #tpu.memory_space<vmem>> -> memref<1x200x64xf32, #tpu.memory_space<vmem>>
    %dma_start3A_170 = tpu.memref_squeeze %dma_start3A_169 : memref<1x200x64xf32, #tpu.memory_space<vmem>> -> memref<200x64xf32, #tpu.memory_space<vmem>>
    %dma_start3A_171 = arith.constant 0 : i32
    %dma_start3A_172 = arith.constant 0 : i32
    %dma_start3A_173 = tpu.memref_slice %arg4[%add3A_165, %dma_start3A_171, %dma_start3A_172] : memref<4096x200x64xf32, #tpu.memory_space<hbm>> -> memref<1x200x64xf32, #tpu.memory_space<hbm>>
    %dma_start3A_174 = tpu.memref_squeeze %dma_start3A_173 : memref<1x200x64xf32, #tpu.memory_space<hbm>> -> memref<200x64xf32, #tpu.memory_space<hbm>>
    %dma_start3A_175 = arith.constant 0 : i32
    %dma_start3A_176 = arith.constant 0 : i32
    %dma_start3A_177 = tpu.memref_slice %arg4[%add3A_165, %dma_start3A_175, %dma_start3A_176] : memref<4096x200x64xf32, #tpu.memory_space<hbm>> -> memref<1x200x64xf32, #tpu.memory_space<hbm>>
    %dma_start3A_178 = tpu.memref_squeeze %dma_start3A_177 : memref<1x200x64xf32, #tpu.memory_space<hbm>> -> memref<200x64xf32, #tpu.memory_space<hbm>>
    %dma_start3A_179 = arith.constant 0 : i32
    %dma_start3A_180 = arith.constant 0 : i32
    %dma_start3A_181 = tpu.memref_slice %arg6[%dma_start3A_166, %dma_start3A_179, %dma_start3A_180] : memref<4x200x64xf32, #tpu.memory_space<vmem>> -> memref<1x200x64xf32, #tpu.memory_space<vmem>>
    %dma_start3A_182 = tpu.memref_squeeze %dma_start3A_181 : memref<1x200x64xf32, #tpu.memory_space<vmem>> -> memref<200x64xf32, #tpu.memory_space<vmem>>
    tpu.enqueue_dma source(%dma_start3A_182 : memref<200x64xf32, #tpu.memory_space<vmem>>) target(%dma_start3A_178 : memref<200x64xf32, #tpu.memory_space<hbm>>) target_semaphore(%arg12 : memref<!tpu.dma_semaphore, #tpu.memory_space<semaphore_mem>>)
    %add3A_183 = arith.constant 0 : i32
    %add3A_184 = arith.addi %mul3A_2, %add3A_183 : i32
    %dma_wait3A_185 = arith.constant 0 : i32
    %dma_wait3A_186 = arith.constant 0 : i32
    %dma_wait3A_187 = arith.constant 0 : i32
    %dma_wait3A_188 = tpu.memref_slice %arg6[%dma_wait3A_185, %dma_wait3A_186, %dma_wait3A_187] : memref<4x200x64xf32, #tpu.memory_space<vmem>> -> memref<1x200x64xf32, #tpu.memory_space<vmem>>
    %dma_wait3A_189 = tpu.memref_squeeze %dma_wait3A_188 : memref<1x200x64xf32, #tpu.memory_space<vmem>> -> memref<200x64xf32, #tpu.memory_space<vmem>>
    %dma_wait3A_190 = arith.constant 0 : i32
    %dma_wait3A_191 = arith.constant 0 : i32
    %dma_wait3A_192 = tpu.memref_slice %arg4[%add3A_184, %dma_wait3A_190, %dma_wait3A_191] : memref<4096x200x64xf32, #tpu.memory_space<hbm>> -> memref<1x200x64xf32, #tpu.memory_space<hbm>>
    %dma_wait3A_193 = tpu.memref_squeeze %dma_wait3A_192 : memref<1x200x64xf32, #tpu.memory_space<hbm>> -> memref<200x64xf32, #tpu.memory_space<hbm>>
    %dma_wait3A_194 = arith.constant 0 : i32
    %dma_wait3A_195 = arith.constant 0 : i32
    %dma_wait3A_196 = tpu.memref_slice %arg4[%add3A_184, %dma_wait3A_194, %dma_wait3A_195] : memref<4096x200x64xf32, #tpu.memory_space<hbm>> -> memref<1x200x64xf32, #tpu.memory_space<hbm>>
    %dma_wait3A_197 = tpu.memref_squeeze %dma_wait3A_196 : memref<1x200x64xf32, #tpu.memory_space<hbm>> -> memref<200x64xf32, #tpu.memory_space<hbm>>
    %dma_wait3A_198 = arith.constant 0 : i32
    %dma_wait3A_199 = arith.constant 0 : i32
    %dma_wait3A_200 = tpu.memref_slice %arg6[%dma_wait3A_185, %dma_wait3A_198, %dma_wait3A_199] : memref<4x200x64xf32, #tpu.memory_space<vmem>> -> memref<1x200x64xf32, #tpu.memory_space<vmem>>
    %dma_wait3A_201 = tpu.memref_squeeze %dma_wait3A_200 : memref<1x200x64xf32, #tpu.memory_space<vmem>> -> memref<200x64xf32, #tpu.memory_space<vmem>>
    tpu.wait_dma2 semaphore(%arg11 : memref<!tpu.dma_semaphore, #tpu.memory_space<semaphore_mem>>) src(%dma_wait3A_201 : memref<200x64xf32, #tpu.memory_space<vmem>>) dst(%dma_wait3A_197 : memref<200x64xf32, #tpu.memory_space<hbm>>)
    %dma_start3A_202 = arith.constant 4 : i32
    %dma_start3A_203 = arith.constant 0 : i32
    %dma_start3A_204 = arith.constant 0 : i32
    %dma_start3A_205 = arith.constant 0 : i32
    %dma_start3A_206 = tpu.memref_slice %arg6[%dma_start3A_203, %dma_start3A_204, %dma_start3A_205] : memref<4x200x64xf32, #tpu.memory_space<vmem>> -> memref<1x128x64xf32, #tpu.memory_space<vmem>>
    %dma_start3A_207 = tpu.memref_squeeze %dma_start3A_206 : memref<1x128x64xf32, #tpu.memory_space<vmem>> -> memref<128x64xf32, #tpu.memory_space<vmem>>
    %dma_start3A_208 = arith.constant 0 : i32
    %dma_start3A_209 = tpu.memref_slice %arg5[%dma_start3A_202, %dma_start3A_208] : memref<128x200xi32, #tpu.memory_space<vmem>> -> memref<1x128xi32, #tpu.memory_space<vmem>>
    %dma_start3A_210 = tpu.memref_squeeze %dma_start3A_209 : memref<1x128xi32, #tpu.memory_space<vmem>> -> memref<128xi32, #tpu.memory_space<vmem>>
    %dma_start3A_211 = arith.constant 0 : i32
    %dma_start3A_212 = arith.constant 0 : i32
    %dma_start3A_213 = tpu.memref_slice %arg3[%dma_start3A_211, %dma_start3A_212] : memref<1000000x64xf32, #tpu.memory_space<hbm>> -> memref<1000000x64xf32, #tpu.memory_space<hbm>>
    tpu.enqueue_indirect_dma source(%dma_start3A_213 : memref<1000000x64xf32, #tpu.memory_space<hbm>>) target(%dma_start3A_207 : memref<128x64xf32, #tpu.memory_space<vmem>>) offsets(%dma_start3A_210 : memref<128xi32, #tpu.memory_space<vmem>>) semaphore(%arg7 : memref<!tpu.dma_semaphore, #tpu.memory_space<semaphore_mem>>)
    %dma_start3A_214 = arith.constant 4 : i32
    %dma_start3A_215 = arith.constant 0 : i32
    %dma_start3A_216 = arith.constant 128 : i32
    %dma_start3A_217 = arith.constant 0 : i32
    %dma_start3A_218 = tpu.memref_slice %arg6[%dma_start3A_215, %dma_start3A_216, %dma_start3A_217] : memref<4x200x64xf32, #tpu.memory_space<vmem>> -> memref<1x72x64xf32, #tpu.memory_space<vmem>>
    %dma_start3A_219 = tpu.memref_squeeze %dma_start3A_218 : memref<1x72x64xf32, #tpu.memory_space<vmem>> -> memref<72x64xf32, #tpu.memory_space<vmem>>
    %dma_start3A_220 = arith.constant 128 : i32
    %dma_start3A_221 = tpu.memref_slice %arg5[%dma_start3A_214, %dma_start3A_220] : memref<128x200xi32, #tpu.memory_space<vmem>> -> memref<1x72xi32, #tpu.memory_space<vmem>>
    %dma_start3A_222 = tpu.memref_squeeze %dma_start3A_221 : memref<1x72xi32, #tpu.memory_space<vmem>> -> memref<72xi32, #tpu.memory_space<vmem>>
    %dma_start3A_223 = arith.constant 0 : i32
    %dma_start3A_224 = arith.constant 0 : i32
    %dma_start3A_225 = tpu.memref_slice %arg3[%dma_start3A_223, %dma_start3A_224] : memref<1000000x64xf32, #tpu.memory_space<hbm>> -> memref<1000000x64xf32, #tpu.memory_space<hbm>>
    tpu.enqueue_indirect_dma source(%dma_start3A_225 : memref<1000000x64xf32, #tpu.memory_space<hbm>>) target(%dma_start3A_219 : memref<72x64xf32, #tpu.memory_space<vmem>>) offsets(%dma_start3A_222 : memref<72xi32, #tpu.memory_space<vmem>>) semaphore(%arg7 : memref<!tpu.dma_semaphore, #tpu.memory_space<semaphore_mem>>)
    %dma_wait3A_226 = arith.constant 2 : i32
    %dma_wait3A_227 = arith.constant 2 : i32
    %dma_wait3A_228 = arith.constant 0 : i32
    %dma_wait3A_229 = arith.constant 0 : i32
    %dma_wait3A_230 = tpu.memref_slice %arg6[%dma_wait3A_227, %dma_wait3A_228, %dma_wait3A_229] : memref<4x200x64xf32, #tpu.memory_space<vmem>> -> memref<1x128x64xf32, #tpu.memory_space<vmem>>
    %dma_wait3A_231 = tpu.memref_squeeze %dma_wait3A_230 : memref<1x128x64xf32, #tpu.memory_space<vmem>> -> memref<128x64xf32, #tpu.memory_space<vmem>>
    %dma_wait3A_232 = arith.constant 0 : i32
    %dma_wait3A_233 = tpu.memref_slice %arg5[%dma_wait3A_226, %dma_wait3A_232] : memref<128x200xi32, #tpu.memory_space<vmem>> -> memref<1x128xi32, #tpu.memory_space<vmem>>
    %dma_wait3A_234 = tpu.memref_squeeze %dma_wait3A_233 : memref<1x128xi32, #tpu.memory_space<vmem>> -> memref<128xi32, #tpu.memory_space<vmem>>
    %dma_wait3A_235 = arith.constant 0 : i32
    %dma_wait3A_236 = arith.constant 0 : i32
    %dma_wait3A_237 = tpu.memref_slice %arg3[%dma_wait3A_235, %dma_wait3A_236] : memref<1000000x64xf32, #tpu.memory_space<hbm>> -> memref<1000000x64xf32, #tpu.memory_space<hbm>>
    tpu.wait_indirect_dma semaphore(%arg9 : memref<!tpu.dma_semaphore, #tpu.memory_space<semaphore_mem>>) src(%dma_wait3A_237 : memref<1000000x64xf32, #tpu.memory_space<hbm>>) dst(%dma_wait3A_231 : memref<128x64xf32, #tpu.memory_space<vmem>>)
    %dma_wait3A_238 = arith.constant 2 : i32
    %dma_wait3A_239 = arith.constant 2 : i32
    %dma_wait3A_240 = arith.constant 128 : i32
    %dma_wait3A_241 = arith.constant 0 : i32
    %dma_wait3A_242 = tpu.memref_slice %arg6[%dma_wait3A_239, %dma_wait3A_240, %dma_wait3A_241] : memref<4x200x64xf32, #tpu.memory_space<vmem>> -> memref<1x72x64xf32, #tpu.memory_space<vmem>>
    %dma_wait3A_243 = tpu.memref_squeeze %dma_wait3A_242 : memref<1x72x64xf32, #tpu.memory_space<vmem>> -> memref<72x64xf32, #tpu.memory_space<vmem>>
    %dma_wait3A_244 = arith.constant 128 : i32
    %dma_wait3A_245 = tpu.memref_slice %arg5[%dma_wait3A_238, %dma_wait3A_244] : memref<128x200xi32, #tpu.memory_space<vmem>> -> memref<1x72xi32, #tpu.memory_space<vmem>>
    %dma_wait3A_246 = tpu.memref_squeeze %dma_wait3A_245 : memref<1x72xi32, #tpu.memory_space<vmem>> -> memref<72xi32, #tpu.memory_space<vmem>>
    %dma_wait3A_247 = arith.constant 0 : i32
    %dma_wait3A_248 = arith.constant 0 : i32
    %dma_wait3A_249 = tpu.memref_slice %arg3[%dma_wait3A_247, %dma_wait3A_248] : memref<1000000x64xf32, #tpu.memory_space<hbm>> -> memref<1000000x64xf32, #tpu.memory_space<hbm>>
    tpu.wait_indirect_dma semaphore(%arg9 : memref<!tpu.dma_semaphore, #tpu.memory_space<semaphore_mem>>) src(%dma_wait3A_249 : memref<1000000x64xf32, #tpu.memory_space<hbm>>) dst(%dma_wait3A_243 : memref<72x64xf32, #tpu.memory_space<vmem>>)
    %add3A_250 = arith.constant 2 : i32
    %add3A_251 = arith.addi %mul3A_2, %add3A_250 : i32
    %dma_start3A_252 = arith.constant 2 : i32
    %dma_start3A_253 = arith.constant 0 : i32
    %dma_start3A_254 = arith.constant 0 : i32
    %dma_start3A_255 = tpu.memref_slice %arg6[%dma_start3A_252, %dma_start3A_253, %dma_start3A_254] : memref<4x200x64xf32, #tpu.memory_space<vmem>> -> memref<1x200x64xf32, #tpu.memory_space<vmem>>
    %dma_start3A_256 = tpu.memref_squeeze %dma_start3A_255 : memref<1x200x64xf32, #tpu.memory_space<vmem>> -> memref<200x64xf32, #tpu.memory_space<vmem>>
    %dma_start3A_257 = arith.constant 0 : i32
    %dma_start3A_258 = arith.constant 0 : i32
    %dma_start3A_259 = tpu.memref_slice %arg4[%add3A_251, %dma_start3A_257, %dma_start3A_258] : memref<4096x200x64xf32, #tpu.memory_space<hbm>> -> memref<1x200x64xf32, #tpu.memory_space<hbm>>
    %dma_start3A_260 = tpu.memref_squeeze %dma_start3A_259 : memref<1x200x64xf32, #tpu.memory_space<hbm>> -> memref<200x64xf32, #tpu.memory_space<hbm>>
    %dma_start3A_261 = arith.constant 0 : i32
    %dma_start3A_262 = arith.constant 0 : i32
    %dma_start3A_263 = tpu.memref_slice %arg4[%add3A_251, %dma_start3A_261, %dma_start3A_262] : memref<4096x200x64xf32, #tpu.memory_space<hbm>> -> memref<1x200x64xf32, #tpu.memory_space<hbm>>
    %dma_start3A_264 = tpu.memref_squeeze %dma_start3A_263 : memref<1x200x64xf32, #tpu.memory_space<hbm>> -> memref<200x64xf32, #tpu.memory_space<hbm>>
    %dma_start3A_265 = arith.constant 0 : i32
    %dma_start3A_266 = arith.constant 0 : i32
    %dma_start3A_267 = tpu.memref_slice %arg6[%dma_start3A_252, %dma_start3A_265, %dma_start3A_266] : memref<4x200x64xf32, #tpu.memory_space<vmem>> -> memref<1x200x64xf32, #tpu.memory_space<vmem>>
    %dma_start3A_268 = tpu.memref_squeeze %dma_start3A_267 : memref<1x200x64xf32, #tpu.memory_space<vmem>> -> memref<200x64xf32, #tpu.memory_space<vmem>>
    tpu.enqueue_dma source(%dma_start3A_268 : memref<200x64xf32, #tpu.memory_space<vmem>>) target(%dma_start3A_264 : memref<200x64xf32, #tpu.memory_space<hbm>>) target_semaphore(%arg13 : memref<!tpu.dma_semaphore, #tpu.memory_space<semaphore_mem>>)
    %add3A_269 = arith.constant 1 : i32
    %add3A_270 = arith.addi %mul3A_2, %add3A_269 : i32
    %dma_wait3A_271 = arith.constant 1 : i32
    %dma_wait3A_272 = arith.constant 0 : i32
    %dma_wait3A_273 = arith.constant 0 : i32
    %dma_wait3A_274 = tpu.memref_slice %arg6[%dma_wait3A_271, %dma_wait3A_272, %dma_wait3A_273] : memref<4x200x64xf32, #tpu.memory_space<vmem>> -> memref<1x200x64xf32, #tpu.memory_space<vmem>>
    %dma_wait3A_275 = tpu.memref_squeeze %dma_wait3A_274 : memref<1x200x64xf32, #tpu.memory_space<vmem>> -> memref<200x64xf32, #tpu.memory_space<vmem>>
    %dma_wait3A_276 = arith.constant 0 : i32
    %dma_wait3A_277 = arith.constant 0 : i32
    %dma_wait3A_278 = tpu.memref_slice %arg4[%add3A_270, %dma_wait3A_276, %dma_wait3A_277] : memref<4096x200x64xf32, #tpu.memory_space<hbm>> -> memref<1x200x64xf32, #tpu.memory_space<hbm>>
    %dma_wait3A_279 = tpu.memref_squeeze %dma_wait3A_278 : memref<1x200x64xf32, #tpu.memory_space<hbm>> -> memref<200x64xf32, #tpu.memory_space<hbm>>
    %dma_wait3A_280 = arith.constant 0 : i32
    %dma_wait3A_281 = arith.constant 0 : i32
    %dma_wait3A_282 = tpu.memref_slice %arg4[%add3A_270, %dma_wait3A_280, %dma_wait3A_281] : memref<4096x200x64xf32, #tpu.memory_space<hbm>> -> memref<1x200x64xf32, #tpu.memory_space<hbm>>
    %dma_wait3A_283 = tpu.memref_squeeze %dma_wait3A_282 : memref<1x200x64xf32, #tpu.memory_space<hbm>> -> memref<200x64xf32, #tpu.memory_space<hbm>>
    %dma_wait3A_284 = arith.constant 0 : i32
    %dma_wait3A_285 = arith.constant 0 : i32
    %dma_wait3A_286 = tpu.memref_slice %arg6[%dma_wait3A_271, %dma_wait3A_284, %dma_wait3A_285] : memref<4x200x64xf32, #tpu.memory_space<vmem>> -> memref<1x200x64xf32, #tpu.memory_space<vmem>>
    %dma_wait3A_287 = tpu.memref_squeeze %dma_wait3A_286 : memref<1x200x64xf32, #tpu.memory_space<vmem>> -> memref<200x64xf32, #tpu.memory_space<vmem>>
    tpu.wait_dma2 semaphore(%arg12 : memref<!tpu.dma_semaphore, #tpu.memory_space<semaphore_mem>>) src(%dma_wait3A_287 : memref<200x64xf32, #tpu.memory_space<vmem>>) dst(%dma_wait3A_283 : memref<200x64xf32, #tpu.memory_space<hbm>>)
    %dma_start3A_288 = arith.constant 5 : i32
    %dma_start3A_289 = arith.constant 1 : i32
    %dma_start3A_290 = arith.constant 0 : i32
    %dma_start3A_291 = arith.constant 0 : i32
    %dma_start3A_292 = tpu.memref_slice %arg6[%dma_start3A_289, %dma_start3A_290, %dma_start3A_291] : memref<4x200x64xf32, #tpu.memory_space<vmem>> -> memref<1x128x64xf32, #tpu.memory_space<vmem>>
    %dma_start3A_293 = tpu.memref_squeeze %dma_start3A_292 : memref<1x128x64xf32, #tpu.memory_space<vmem>> -> memref<128x64xf32, #tpu.memory_space<vmem>>
    %dma_start3A_294 = arith.constant 0 : i32
    %dma_start3A_295 = tpu.memref_slice %arg5[%dma_start3A_288, %dma_start3A_294] : memref<128x200xi32, #tpu.memory_space<vmem>> -> memref<1x128xi32, #tpu.memory_space<vmem>>
    %dma_start3A_296 = tpu.memref_squeeze %dma_start3A_295 : memref<1x128xi32, #tpu.memory_space<vmem>> -> memref<128xi32, #tpu.memory_space<vmem>>
    %dma_start3A_297 = arith.constant 0 : i32
    %dma_start3A_298 = arith.constant 0 : i32
    %dma_start3A_299 = tpu.memref_slice %arg3[%dma_start3A_297, %dma_start3A_298] : memref<1000000x64xf32, #tpu.memory_space<hbm>> -> memref<1000000x64xf32, #tpu.memory_space<hbm>>
    tpu.enqueue_indirect_dma source(%dma_start3A_299 : memref<1000000x64xf32, #tpu.memory_space<hbm>>) target(%dma_start3A_293 : memref<128x64xf32, #tpu.memory_space<vmem>>) offsets(%dma_start3A_296 : memref<128xi32, #tpu.memory_space<vmem>>) semaphore(%arg8 : memref<!tpu.dma_semaphore, #tpu.memory_space<semaphore_mem>>)
    %dma_start3A_300 = arith.constant 5 : i32
    %dma_start3A_301 = arith.constant 1 : i32
    %dma_start3A_302 = arith.constant 128 : i32
    %dma_start3A_303 = arith.constant 0 : i32
    %dma_start3A_304 = tpu.memref_slice %arg6[%dma_start3A_301, %dma_start3A_302, %dma_start3A_303] : memref<4x200x64xf32, #tpu.memory_space<vmem>> -> memref<1x72x64xf32, #tpu.memory_space<vmem>>
    %dma_start3A_305 = tpu.memref_squeeze %dma_start3A_304 : memref<1x72x64xf32, #tpu.memory_space<vmem>> -> memref<72x64xf32, #tpu.memory_space<vmem>>
    %dma_start3A_306 = arith.constant 128 : i32
    %dma_start3A_307 = tpu.memref_slice %arg5[%dma_start3A_300, %dma_start3A_306] : memref<128x200xi32, #tpu.memory_space<vmem>> -> memref<1x72xi32, #tpu.memory_space<vmem>>
    %dma_start3A_308 = tpu.memref_squeeze %dma_start3A_307 : memref<1x72xi32, #tpu.memory_space<vmem>> -> memref<72xi32, #tpu.memory_space<vmem>>
    %dma_start3A_309 = arith.constant 0 : i32
    %dma_start3A_310 = arith.constant 0 : i32
    %dma_start3A_311 = tpu.memref_slice %arg3[%dma_start3A_309, %dma_start3A_310] : memref<1000000x64xf32, #tpu.memory_space<hbm>> -> memref<1000000x64xf32, #tpu.memory_space<hbm>>
    tpu.enqueue_indirect_dma source(%dma_start3A_311 : memref<1000000x64xf32, #tpu.memory_space<hbm>>) target(%dma_start3A_305 : memref<72x64xf32, #tpu.memory_space<vmem>>) offsets(%dma_start3A_308 : memref<72xi32, #tpu.memory_space<vmem>>) semaphore(%arg8 : memref<!tpu.dma_semaphore, #tpu.memory_space<semaphore_mem>>)
    %dma_wait3A_312 = arith.constant 3 : i32
    %dma_wait3A_313 = arith.constant 3 : i32
    %dma_wait3A_314 = arith.constant 0 : i32
    %dma_wait3A_315 = arith.constant 0 : i32
    %dma_wait3A_316 = tpu.memref_slice %arg6[%dma_wait3A_313, %dma_wait3A_314, %dma_wait3A_315] : memref<4x200x64xf32, #tpu.memory_space<vmem>> -> memref<1x128x64xf32, #tpu.memory_space<vmem>>
    %dma_wait3A_317 = tpu.memref_squeeze %dma_wait3A_316 : memref<1x128x64xf32, #tpu.memory_space<vmem>> -> memref<128x64xf32, #tpu.memory_space<vmem>>
    %dma_wait3A_318 = arith.constant 0 : i32
    %dma_wait3A_319 = tpu.memref_slice %arg5[%dma_wait3A_312, %dma_wait3A_318] : memref<128x200xi32, #tpu.memory_space<vmem>> -> memref<1x128xi32, #tpu.memory_space<vmem>>
    %dma_wait3A_320 = tpu.memref_squeeze %dma_wait3A_319 : memref<1x128xi32, #tpu.memory_space<vmem>> -> memref<128xi32, #tpu.memory_space<vmem>>
    %dma_wait3A_321 = arith.constant 0 : i32
    %dma_wait3A_322 = arith.constant 0 : i32
    %dma_wait3A_323 = tpu.memref_slice %arg3[%dma_wait3A_321, %dma_wait3A_322] : memref<1000000x64xf32, #tpu.memory_space<hbm>> -> memref<1000000x64xf32, #tpu.memory_space<hbm>>
    tpu.wait_indirect_dma semaphore(%arg10 : memref<!tpu.dma_semaphore, #tpu.memory_space<semaphore_mem>>) src(%dma_wait3A_323 : memref<1000000x64xf32, #tpu.memory_space<hbm>>) dst(%dma_wait3A_317 : memref<128x64xf32, #tpu.memory_space<vmem>>)
    %dma_wait3A_324 = arith.constant 3 : i32
    %dma_wait3A_325 = arith.constant 3 : i32
    %dma_wait3A_326 = arith.constant 128 : i32
    %dma_wait3A_327 = arith.constant 0 : i32
    %dma_wait3A_328 = tpu.memref_slice %arg6[%dma_wait3A_325, %dma_wait3A_326, %dma_wait3A_327] : memref<4x200x64xf32, #tpu.memory_space<vmem>> -> memref<1x72x64xf32, #tpu.memory_space<vmem>>
    %dma_wait3A_329 = tpu.memref_squeeze %dma_wait3A_328 : memref<1x72x64xf32, #tpu.memory_space<vmem>> -> memref<72x64xf32, #tpu.memory_space<vmem>>
    %dma_wait3A_330 = arith.constant 128 : i32
    %dma_wait3A_331 = tpu.memref_slice %arg5[%dma_wait3A_324, %dma_wait3A_330] : memref<128x200xi32, #tpu.memory_space<vmem>> -> memref<1x72xi32, #tpu.memory_space<vmem>>
    %dma_wait3A_332 = tpu.memref_squeeze %dma_wait3A_331 : memref<1x72xi32, #tpu.memory_space<vmem>> -> memref<72xi32, #tpu.memory_space<vmem>>
    %dma_wait3A_333 = arith.constant 0 : i32
    %dma_wait3A_334 = arith.constant 0 : i32
    %dma_wait3A_335 = tpu.memref_slice %arg3[%dma_wait3A_333, %dma_wait3A_334] : memref<1000000x64xf32, #tpu.memory_space<hbm>> -> memref<1000000x64xf32, #tpu.memory_space<hbm>>
    tpu.wait_indirect_dma semaphore(%arg10 : memref<!tpu.dma_semaphore, #tpu.memory_space<semaphore_mem>>) src(%dma_wait3A_335 : memref<1000000x64xf32, #tpu.memory_space<hbm>>) dst(%dma_wait3A_329 : memref<72x64xf32, #tpu.memory_space<vmem>>)
    %add3A_336 = arith.constant 3 : i32
    %add3A_337 = arith.addi %mul3A_2, %add3A_336 : i32
    %dma_start3A_338 = arith.constant 3 : i32
    %dma_start3A_339 = arith.constant 0 : i32
    %dma_start3A_340 = arith.constant 0 : i32
    %dma_start3A_341 = tpu.memref_slice %arg6[%dma_start3A_338, %dma_start3A_339, %dma_start3A_340] : memref<4x200x64xf32, #tpu.memory_space<vmem>> -> memref<1x200x64xf32, #tpu.memory_space<vmem>>
    %dma_start3A_342 = tpu.memref_squeeze %dma_start3A_341 : memref<1x200x64xf32, #tpu.memory_space<vmem>> -> memref<200x64xf32, #tpu.memory_space<vmem>>
    %dma_start3A_343 = arith.constant 0 : i32
    %dma_start3A_344 = arith.constant 0 : i32
    %dma_start3A_345 = tpu.memref_slice %arg4[%add3A_337, %dma_start3A_343, %dma_start3A_344] : memref<4096x200x64xf32, #tpu.memory_space<hbm>> -> memref<1x200x64xf32, #tpu.memory_space<hbm>>
    %dma_start3A_346 = tpu.memref_squeeze %dma_start3A_345 : memref<1x200x64xf32, #tpu.memory_space<hbm>> -> memref<200x64xf32, #tpu.memory_space<hbm>>
    %dma_start3A_347 = arith.constant 0 : i32
    %dma_start3A_348 = arith.constant 0 : i32
    %dma_start3A_349 = tpu.memref_slice %arg4[%add3A_337, %dma_start3A_347, %dma_start3A_348] : memref<4096x200x64xf32, #tpu.memory_space<hbm>> -> memref<1x200x64xf32, #tpu.memory_space<hbm>>
    %dma_start3A_350 = tpu.memref_squeeze %dma_start3A_349 : memref<1x200x64xf32, #tpu.memory_space<hbm>> -> memref<200x64xf32, #tpu.memory_space<hbm>>
    %dma_start3A_351 = arith.constant 0 : i32
    %dma_start3A_352 = arith.constant 0 : i32
    %dma_start3A_353 = tpu.memref_slice %arg6[%dma_start3A_338, %dma_start3A_351, %dma_start3A_352] : memref<4x200x64xf32, #tpu.memory_space<vmem>> -> memref<1x200x64xf32, #tpu.memory_space<vmem>>
    %dma_start3A_354 = tpu.memref_squeeze %dma_start3A_353 : memref<1x200x64xf32, #tpu.memory_space<vmem>> -> memref<200x64xf32, #tpu.memory_space<vmem>>
    tpu.enqueue_dma source(%dma_start3A_354 : memref<200x64xf32, #tpu.memory_space<vmem>>) target(%dma_start3A_350 : memref<200x64xf32, #tpu.memory_space<hbm>>) target_semaphore(%arg14 : memref<!tpu.dma_semaphore, #tpu.memory_space<semaphore_mem>>)
    %add3A_355 = arith.constant 2 : i32
    %add3A_356 = arith.addi %mul3A_2, %add3A_355 : i32
    %dma_wait3A_357 = arith.constant 2 : i32
    %dma_wait3A_358 = arith.constant 0 : i32
    %dma_wait3A_359 = arith.constant 0 : i32
    %dma_wait3A_360 = tpu.memref_slice %arg6[%dma_wait3A_357, %dma_wait3A_358, %dma_wait3A_359] : memref<4x200x64xf32, #tpu.memory_space<vmem>> -> memref<1x200x64xf32, #tpu.memory_space<vmem>>
    %dma_wait3A_361 = tpu.memref_squeeze %dma_wait3A_360 : memref<1x200x64xf32, #tpu.memory_space<vmem>> -> memref<200x64xf32, #tpu.memory_space<vmem>>
    %dma_wait3A_362 = arith.constant 0 : i32
    %dma_wait3A_363 = arith.constant 0 : i32
    %dma_wait3A_364 = tpu.memref_slice %arg4[%add3A_356, %dma_wait3A_362, %dma_wait3A_363] : memref<4096x200x64xf32, #tpu.memory_space<hbm>> -> memref<1x200x64xf32, #tpu.memory_space<hbm>>
    %dma_wait3A_365 = tpu.memref_squeeze %dma_wait3A_364 : memref<1x200x64xf32, #tpu.memory_space<hbm>> -> memref<200x64xf32, #tpu.memory_space<hbm>>
    %dma_wait3A_366 = arith.constant 0 : i32
    %dma_wait3A_367 = arith.constant 0 : i32
    %dma_wait3A_368 = tpu.memref_slice %arg4[%add3A_356, %dma_wait3A_366, %dma_wait3A_367] : memref<4096x200x64xf32, #tpu.memory_space<hbm>> -> memref<1x200x64xf32, #tpu.memory_space<hbm>>
    %dma_wait3A_369 = tpu.memref_squeeze %dma_wait3A_368 : memref<1x200x64xf32, #tpu.memory_space<hbm>> -> memref<200x64xf32, #tpu.memory_space<hbm>>
    %dma_wait3A_370 = arith.constant 0 : i32
    %dma_wait3A_371 = arith.constant 0 : i32
    %dma_wait3A_372 = tpu.memref_slice %arg6[%dma_wait3A_357, %dma_wait3A_370, %dma_wait3A_371] : memref<4x200x64xf32, #tpu.memory_space<vmem>> -> memref<1x200x64xf32, #tpu.memory_space<vmem>>
    %dma_wait3A_373 = tpu.memref_squeeze %dma_wait3A_372 : memref<1x200x64xf32, #tpu.memory_space<vmem>> -> memref<200x64xf32, #tpu.memory_space<vmem>>
    tpu.wait_dma2 semaphore(%arg13 : memref<!tpu.dma_semaphore, #tpu.memory_space<semaphore_mem>>) src(%dma_wait3A_373 : memref<200x64xf32, #tpu.memory_space<vmem>>) dst(%dma_wait3A_369 : memref<200x64xf32, #tpu.memory_space<hbm>>)
    %dma_start3A_374 = arith.constant 6 : i32
    %dma_start3A_375 = arith.constant 2 : i32
    %dma_start3A_376 = arith.constant 0 : i32
    %dma_start3A_377 = arith.constant 0 : i32
    %dma_start3A_378 = tpu.memref_slice %arg6[%dma_start3A_375, %dma_start3A_376, %dma_start3A_377] : memref<4x200x64xf32, #tpu.memory_space<vmem>> -> memref<1x128x64xf32, #tpu.memory_space<vmem>>
    %dma_start3A_379 = tpu.memref_squeeze %dma_start3A_378 : memref<1x128x64xf32, #tpu.memory_space<vmem>> -> memref<128x64xf32, #tpu.memory_space<vmem>>
    %dma_start3A_380 = arith.constant 0 : i32
    %dma_start3A_381 = tpu.memref_slice %arg5[%dma_start3A_374, %dma_start3A_380] : memref<128x200xi32, #tpu.memory_space<vmem>> -> memref<1x128xi32, #tpu.memory_space<vmem>>
    %dma_start3A_382 = tpu.memref_squeeze %dma_start3A_381 : memref<1x128xi32, #tpu.memory_space<vmem>> -> memref<128xi32, #tpu.memory_space<vmem>>
    %dma_start3A_383 = arith.constant 0 : i32
    %dma_start3A_384 = arith.constant 0 : i32
    %dma_start3A_385 = tpu.memref_slice %arg3[%dma_start3A_383, %dma_start3A_384] : memref<1000000x64xf32, #tpu.memory_space<hbm>> -> memref<1000000x64xf32, #tpu.memory_space<hbm>>
    tpu.enqueue_indirect_dma source(%dma_start3A_385 : memref<1000000x64xf32, #tpu.memory_space<hbm>>) target(%dma_start3A_379 : memref<128x64xf32, #tpu.memory_space<vmem>>) offsets(%dma_start3A_382 : memref<128xi32, #tpu.memory_space<vmem>>) semaphore(%arg9 : memref<!tpu.dma_semaphore, #tpu.memory_space<semaphore_mem>>)
    %dma_start3A_386 = arith.constant 6 : i32
    %dma_start3A_387 = arith.constant 2 : i32
    %dma_start3A_388 = arith.constant 128 : i32
    %dma_start3A_389 = arith.constant 0 : i32
    %dma_start3A_390 = tpu.memref_slice %arg6[%dma_start3A_387, %dma_start3A_388, %dma_start3A_389] : memref<4x200x64xf32, #tpu.memory_space<vmem>> -> memref<1x72x64xf32, #tpu.memory_space<vmem>>
    %dma_start3A_391 = tpu.memref_squeeze %dma_start3A_390 : memref<1x72x64xf32, #tpu.memory_space<vmem>> -> memref<72x64xf32, #tpu.memory_space<vmem>>
    %dma_start3A_392 = arith.constant 128 : i32
    %dma_start3A_393 = tpu.memref_slice %arg5[%dma_start3A_386, %dma_start3A_392] : memref<128x200xi32, #tpu.memory_space<vmem>> -> memref<1x72xi32, #tpu.memory_space<vmem>>
    %dma_start3A_394 = tpu.memref_squeeze %dma_start3A_393 : memref<1x72xi32, #tpu.memory_space<vmem>> -> memref<72xi32, #tpu.memory_space<vmem>>
    %dma_start3A_395 = arith.constant 0 : i32
    %dma_start3A_396 = arith.constant 0 : i32
    %dma_start3A_397 = tpu.memref_slice %arg3[%dma_start3A_395, %dma_start3A_396] : memref<1000000x64xf32, #tpu.memory_space<hbm>> -> memref<1000000x64xf32, #tpu.memory_space<hbm>>
    tpu.enqueue_indirect_dma source(%dma_start3A_397 : memref<1000000x64xf32, #tpu.memory_space<hbm>>) target(%dma_start3A_391 : memref<72x64xf32, #tpu.memory_space<vmem>>) offsets(%dma_start3A_394 : memref<72xi32, #tpu.memory_space<vmem>>) semaphore(%arg9 : memref<!tpu.dma_semaphore, #tpu.memory_space<semaphore_mem>>)
    %scan3A = arith.constant 0 : i32
    %scan3A_398 = arith.constant 1 : i32
    %scan3A_399 = arith.constant 30 : i32
    %scan3A_400 = arith.addi %scan3A_398, %scan3A_399 : i32
    %scan3A_401 = arith.constant 1 : i32
    scf.for %scan3A_694 = %scan3A_398 to %scan3A_400 step %scan3A_401  : i32 {
      %mul3A_695 = arith.constant 4 : i32
      %mul3A_696 = arith.muli %scan3A_694, %mul3A_695 : i32
      %add3A_697 = arith.constant 0 : i32
      %add3A_698 = arith.addi %mul3A_696, %add3A_697 : i32
      %dma_wait3A_699 = arith.constant 0 : i32
      %dma_wait3A_700 = arith.constant 0 : i32
      %dma_wait3A_701 = arith.constant 0 : i32
      %dma_wait3A_702 = tpu.memref_slice %arg6[%dma_wait3A_699, %dma_wait3A_700, %dma_wait3A_701] : memref<4x200x64xf32, #tpu.memory_space<vmem>> -> memref<1x128x64xf32, #tpu.memory_space<vmem>>
      %dma_wait3A_703 = tpu.memref_squeeze %dma_wait3A_702 : memref<1x128x64xf32, #tpu.memory_space<vmem>> -> memref<128x64xf32, #tpu.memory_space<vmem>>
      %dma_wait3A_704 = arith.constant 0 : i32
      %dma_wait3A_705 = tpu.memref_slice %arg5[%add3A_698, %dma_wait3A_704] : memref<128x200xi32, #tpu.memory_space<vmem>> -> memref<1x128xi32, #tpu.memory_space<vmem>>
      %dma_wait3A_706 = tpu.memref_squeeze %dma_wait3A_705 : memref<1x128xi32, #tpu.memory_space<vmem>> -> memref<128xi32, #tpu.memory_space<vmem>>
      %dma_wait3A_707 = arith.constant 0 : i32
      %dma_wait3A_708 = arith.constant 0 : i32
      %dma_wait3A_709 = tpu.memref_slice %arg3[%dma_wait3A_707, %dma_wait3A_708] : memref<1000000x64xf32, #tpu.memory_space<hbm>> -> memref<1000000x64xf32, #tpu.memory_space<hbm>>
      tpu.wait_indirect_dma semaphore(%arg7 : memref<!tpu.dma_semaphore, #tpu.memory_space<semaphore_mem>>) src(%dma_wait3A_709 : memref<1000000x64xf32, #tpu.memory_space<hbm>>) dst(%dma_wait3A_703 : memref<128x64xf32, #tpu.memory_space<vmem>>)
      %dma_wait3A_710 = arith.constant 0 : i32
      %dma_wait3A_711 = arith.constant 128 : i32
      %dma_wait3A_712 = arith.constant 0 : i32
      %dma_wait3A_713 = tpu.memref_slice %arg6[%dma_wait3A_710, %dma_wait3A_711, %dma_wait3A_712] : memref<4x200x64xf32, #tpu.memory_space<vmem>> -> memref<1x72x64xf32, #tpu.memory_space<vmem>>
      %dma_wait3A_714 = tpu.memref_squeeze %dma_wait3A_713 : memref<1x72x64xf32, #tpu.memory_space<vmem>> -> memref<72x64xf32, #tpu.memory_space<vmem>>
      %dma_wait3A_715 = arith.constant 128 : i32
      %dma_wait3A_716 = tpu.memref_slice %arg5[%add3A_698, %dma_wait3A_715] : memref<128x200xi32, #tpu.memory_space<vmem>> -> memref<1x72xi32, #tpu.memory_space<vmem>>
      %dma_wait3A_717 = tpu.memref_squeeze %dma_wait3A_716 : memref<1x72xi32, #tpu.memory_space<vmem>> -> memref<72xi32, #tpu.memory_space<vmem>>
      %dma_wait3A_718 = arith.constant 0 : i32
      %dma_wait3A_719 = arith.constant 0 : i32
      %dma_wait3A_720 = tpu.memref_slice %arg3[%dma_wait3A_718, %dma_wait3A_719] : memref<1000000x64xf32, #tpu.memory_space<hbm>> -> memref<1000000x64xf32, #tpu.memory_space<hbm>>
      tpu.wait_indirect_dma semaphore(%arg7 : memref<!tpu.dma_semaphore, #tpu.memory_space<semaphore_mem>>) src(%dma_wait3A_720 : memref<1000000x64xf32, #tpu.memory_space<hbm>>) dst(%dma_wait3A_714 : memref<72x64xf32, #tpu.memory_space<vmem>>)
      %add3A_721 = arith.addi %mul3A_2, %add3A_698 : i32
      %dma_start3A_722 = arith.constant 0 : i32
      %dma_start3A_723 = arith.constant 0 : i32
      %dma_start3A_724 = arith.constant 0 : i32
      %dma_start3A_725 = tpu.memref_slice %arg6[%dma_start3A_722, %dma_start3A_723, %dma_start3A_724] : memref<4x200x64xf32, #tpu.memory_space<vmem>> -> memref<1x200x64xf32, #tpu.memory_space<vmem>>
      %dma_start3A_726 = tpu.memref_squeeze %dma_start3A_725 : memref<1x200x64xf32, #tpu.memory_space<vmem>> -> memref<200x64xf32, #tpu.memory_space<vmem>>
      %dma_start3A_727 = arith.constant 0 : i32
      %dma_start3A_728 = arith.constant 0 : i32
      %dma_start3A_729 = tpu.memref_slice %arg4[%add3A_721, %dma_start3A_727, %dma_start3A_728] : memref<4096x200x64xf32, #tpu.memory_space<hbm>> -> memref<1x200x64xf32, #tpu.memory_space<hbm>>
      %dma_start3A_730 = tpu.memref_squeeze %dma_start3A_729 : memref<1x200x64xf32, #tpu.memory_space<hbm>> -> memref<200x64xf32, #tpu.memory_space<hbm>>
      %dma_start3A_731 = arith.constant 0 : i32
      %dma_start3A_732 = arith.constant 0 : i32
      %dma_start3A_733 = tpu.memref_slice %arg4[%add3A_721, %dma_start3A_731, %dma_start3A_732] : memref<4096x200x64xf32, #tpu.memory_space<hbm>> -> memref<1x200x64xf32, #tpu.memory_space<hbm>>
      %dma_start3A_734 = tpu.memref_squeeze %dma_start3A_733 : memref<1x200x64xf32, #tpu.memory_space<hbm>> -> memref<200x64xf32, #tpu.memory_space<hbm>>
      %dma_start3A_735 = arith.constant 0 : i32
      %dma_start3A_736 = arith.constant 0 : i32
      %dma_start3A_737 = tpu.memref_slice %arg6[%dma_start3A_722, %dma_start3A_735, %dma_start3A_736] : memref<4x200x64xf32, #tpu.memory_space<vmem>> -> memref<1x200x64xf32, #tpu.memory_space<vmem>>
      %dma_start3A_738 = tpu.memref_squeeze %dma_start3A_737 : memref<1x200x64xf32, #tpu.memory_space<vmem>> -> memref<200x64xf32, #tpu.memory_space<vmem>>
      tpu.enqueue_dma source(%dma_start3A_738 : memref<200x64xf32, #tpu.memory_space<vmem>>) target(%dma_start3A_734 : memref<200x64xf32, #tpu.memory_space<hbm>>) target_semaphore(%arg11 : memref<!tpu.dma_semaphore, #tpu.memory_space<semaphore_mem>>)
      %sub3A = arith.constant 1 : i32
      %sub3A_739 = arith.subi %add3A_698, %sub3A : i32
      %add3A_740 = arith.addi %mul3A_2, %sub3A_739 : i32
      %dma_wait3A_741 = arith.constant 3 : i32
      %dma_wait3A_742 = arith.constant 0 : i32
      %dma_wait3A_743 = arith.constant 0 : i32
      %dma_wait3A_744 = tpu.memref_slice %arg6[%dma_wait3A_741, %dma_wait3A_742, %dma_wait3A_743] : memref<4x200x64xf32, #tpu.memory_space<vmem>> -> memref<1x200x64xf32, #tpu.memory_space<vmem>>
      %dma_wait3A_745 = tpu.memref_squeeze %dma_wait3A_744 : memref<1x200x64xf32, #tpu.memory_space<vmem>> -> memref<200x64xf32, #tpu.memory_space<vmem>>
      %dma_wait3A_746 = arith.constant 0 : i32
      %dma_wait3A_747 = arith.constant 0 : i32
      %dma_wait3A_748 = tpu.memref_slice %arg4[%add3A_740, %dma_wait3A_746, %dma_wait3A_747] : memref<4096x200x64xf32, #tpu.memory_space<hbm>> -> memref<1x200x64xf32, #tpu.memory_space<hbm>>
      %dma_wait3A_749 = tpu.memref_squeeze %dma_wait3A_748 : memref<1x200x64xf32, #tpu.memory_space<hbm>> -> memref<200x64xf32, #tpu.memory_space<hbm>>
      %dma_wait3A_750 = arith.constant 0 : i32
      %dma_wait3A_751 = arith.constant 0 : i32
      %dma_wait3A_752 = tpu.memref_slice %arg4[%add3A_740, %dma_wait3A_750, %dma_wait3A_751] : memref<4096x200x64xf32, #tpu.memory_space<hbm>> -> memref<1x200x64xf32, #tpu.memory_space<hbm>>
      %dma_wait3A_753 = tpu.memref_squeeze %dma_wait3A_752 : memref<1x200x64xf32, #tpu.memory_space<hbm>> -> memref<200x64xf32, #tpu.memory_space<hbm>>
      %dma_wait3A_754 = arith.constant 0 : i32
      %dma_wait3A_755 = arith.constant 0 : i32
      %dma_wait3A_756 = tpu.memref_slice %arg6[%dma_wait3A_741, %dma_wait3A_754, %dma_wait3A_755] : memref<4x200x64xf32, #tpu.memory_space<vmem>> -> memref<1x200x64xf32, #tpu.memory_space<vmem>>
      %dma_wait3A_757 = tpu.memref_squeeze %dma_wait3A_756 : memref<1x200x64xf32, #tpu.memory_space<vmem>> -> memref<200x64xf32, #tpu.memory_space<vmem>>
      tpu.wait_dma2 semaphore(%arg14 : memref<!tpu.dma_semaphore, #tpu.memory_space<semaphore_mem>>) src(%dma_wait3A_757 : memref<200x64xf32, #tpu.memory_space<vmem>>) dst(%dma_wait3A_753 : memref<200x64xf32, #tpu.memory_space<hbm>>)
      %add3A_758 = arith.constant 4 : i32
      %add3A_759 = arith.addi %add3A_698, %add3A_758 : i32
      %sub3A_760 = arith.constant 1 : i32
      %sub3A_761 = arith.subi %add3A_759, %sub3A_760 : i32
      %dma_start3A_762 = arith.constant 3 : i32
      %dma_start3A_763 = arith.constant 0 : i32
      %dma_start3A_764 = arith.constant 0 : i32
      %dma_start3A_765 = tpu.memref_slice %arg6[%dma_start3A_762, %dma_start3A_763, %dma_start3A_764] : memref<4x200x64xf32, #tpu.memory_space<vmem>> -> memref<1x128x64xf32, #tpu.memory_space<vmem>>
      %dma_start3A_766 = tpu.memref_squeeze %dma_start3A_765 : memref<1x128x64xf32, #tpu.memory_space<vmem>> -> memref<128x64xf32, #tpu.memory_space<vmem>>
      %dma_start3A_767 = arith.constant 0 : i32
      %dma_start3A_768 = tpu.memref_slice %arg5[%sub3A_761, %dma_start3A_767] : memref<128x200xi32, #tpu.memory_space<vmem>> -> memref<1x128xi32, #tpu.memory_space<vmem>>
      %dma_start3A_769 = tpu.memref_squeeze %dma_start3A_768 : memref<1x128xi32, #tpu.memory_space<vmem>> -> memref<128xi32, #tpu.memory_space<vmem>>
      %dma_start3A_770 = arith.constant 0 : i32
      %dma_start3A_771 = arith.constant 0 : i32
      %dma_start3A_772 = tpu.memref_slice %arg3[%dma_start3A_770, %dma_start3A_771] : memref<1000000x64xf32, #tpu.memory_space<hbm>> -> memref<1000000x64xf32, #tpu.memory_space<hbm>>
      tpu.enqueue_indirect_dma source(%dma_start3A_772 : memref<1000000x64xf32, #tpu.memory_space<hbm>>) target(%dma_start3A_766 : memref<128x64xf32, #tpu.memory_space<vmem>>) offsets(%dma_start3A_769 : memref<128xi32, #tpu.memory_space<vmem>>) semaphore(%arg10 : memref<!tpu.dma_semaphore, #tpu.memory_space<semaphore_mem>>)
      %dma_start3A_773 = arith.constant 3 : i32
      %dma_start3A_774 = arith.constant 128 : i32
      %dma_start3A_775 = arith.constant 0 : i32
      %dma_start3A_776 = tpu.memref_slice %arg6[%dma_start3A_773, %dma_start3A_774, %dma_start3A_775] : memref<4x200x64xf32, #tpu.memory_space<vmem>> -> memref<1x72x64xf32, #tpu.memory_space<vmem>>
      %dma_start3A_777 = tpu.memref_squeeze %dma_start3A_776 : memref<1x72x64xf32, #tpu.memory_space<vmem>> -> memref<72x64xf32, #tpu.memory_space<vmem>>
      %dma_start3A_778 = arith.constant 128 : i32
      %dma_start3A_779 = tpu.memref_slice %arg5[%sub3A_761, %dma_start3A_778] : memref<128x200xi32, #tpu.memory_space<vmem>> -> memref<1x72xi32, #tpu.memory_space<vmem>>
      %dma_start3A_780 = tpu.memref_squeeze %dma_start3A_779 : memref<1x72xi32, #tpu.memory_space<vmem>> -> memref<72xi32, #tpu.memory_space<vmem>>
      %dma_start3A_781 = arith.constant 0 : i32
      %dma_start3A_782 = arith.constant 0 : i32
      %dma_start3A_783 = tpu.memref_slice %arg3[%dma_start3A_781, %dma_start3A_782] : memref<1000000x64xf32, #tpu.memory_space<hbm>> -> memref<1000000x64xf32, #tpu.memory_space<hbm>>
      tpu.enqueue_indirect_dma source(%dma_start3A_783 : memref<1000000x64xf32, #tpu.memory_space<hbm>>) target(%dma_start3A_777 : memref<72x64xf32, #tpu.memory_space<vmem>>) offsets(%dma_start3A_780 : memref<72xi32, #tpu.memory_space<vmem>>) semaphore(%arg10 : memref<!tpu.dma_semaphore, #tpu.memory_space<semaphore_mem>>)
      %mul3A_784 = arith.constant 4 : i32
      %mul3A_785 = arith.muli %scan3A_694, %mul3A_784 : i32
      %add3A_786 = arith.constant 1 : i32
      %add3A_787 = arith.addi %mul3A_785, %add3A_786 : i32
      %dma_wait3A_788 = arith.constant 1 : i32
      %dma_wait3A_789 = arith.constant 0 : i32
      %dma_wait3A_790 = arith.constant 0 : i32
      %dma_wait3A_791 = tpu.memref_slice %arg6[%dma_wait3A_788, %dma_wait3A_789, %dma_wait3A_790] : memref<4x200x64xf32, #tpu.memory_space<vmem>> -> memref<1x128x64xf32, #tpu.memory_space<vmem>>
      %dma_wait3A_792 = tpu.memref_squeeze %dma_wait3A_791 : memref<1x128x64xf32, #tpu.memory_space<vmem>> -> memref<128x64xf32, #tpu.memory_space<vmem>>
      %dma_wait3A_793 = arith.constant 0 : i32
      %dma_wait3A_794 = tpu.memref_slice %arg5[%add3A_787, %dma_wait3A_793] : memref<128x200xi32, #tpu.memory_space<vmem>> -> memref<1x128xi32, #tpu.memory_space<vmem>>
      %dma_wait3A_795 = tpu.memref_squeeze %dma_wait3A_794 : memref<1x128xi32, #tpu.memory_space<vmem>> -> memref<128xi32, #tpu.memory_space<vmem>>
      %dma_wait3A_796 = arith.constant 0 : i32
      %dma_wait3A_797 = arith.constant 0 : i32
      %dma_wait3A_798 = tpu.memref_slice %arg3[%dma_wait3A_796, %dma_wait3A_797] : memref<1000000x64xf32, #tpu.memory_space<hbm>> -> memref<1000000x64xf32, #tpu.memory_space<hbm>>
      tpu.wait_indirect_dma semaphore(%arg8 : memref<!tpu.dma_semaphore, #tpu.memory_space<semaphore_mem>>) src(%dma_wait3A_798 : memref<1000000x64xf32, #tpu.memory_space<hbm>>) dst(%dma_wait3A_792 : memref<128x64xf32, #tpu.memory_space<vmem>>)
      %dma_wait3A_799 = arith.constant 1 : i32
      %dma_wait3A_800 = arith.constant 128 : i32
      %dma_wait3A_801 = arith.constant 0 : i32
      %dma_wait3A_802 = tpu.memref_slice %arg6[%dma_wait3A_799, %dma_wait3A_800, %dma_wait3A_801] : memref<4x200x64xf32, #tpu.memory_space<vmem>> -> memref<1x72x64xf32, #tpu.memory_space<vmem>>
      %dma_wait3A_803 = tpu.memref_squeeze %dma_wait3A_802 : memref<1x72x64xf32, #tpu.memory_space<vmem>> -> memref<72x64xf32, #tpu.memory_space<vmem>>
      %dma_wait3A_804 = arith.constant 128 : i32
      %dma_wait3A_805 = tpu.memref_slice %arg5[%add3A_787, %dma_wait3A_804] : memref<128x200xi32, #tpu.memory_space<vmem>> -> memref<1x72xi32, #tpu.memory_space<vmem>>
      %dma_wait3A_806 = tpu.memref_squeeze %dma_wait3A_805 : memref<1x72xi32, #tpu.memory_space<vmem>> -> memref<72xi32, #tpu.memory_space<vmem>>
      %dma_wait3A_807 = arith.constant 0 : i32
      %dma_wait3A_808 = arith.constant 0 : i32
      %dma_wait3A_809 = tpu.memref_slice %arg3[%dma_wait3A_807, %dma_wait3A_808] : memref<1000000x64xf32, #tpu.memory_space<hbm>> -> memref<1000000x64xf32, #tpu.memory_space<hbm>>
      tpu.wait_indirect_dma semaphore(%arg8 : memref<!tpu.dma_semaphore, #tpu.memory_space<semaphore_mem>>) src(%dma_wait3A_809 : memref<1000000x64xf32, #tpu.memory_space<hbm>>) dst(%dma_wait3A_803 : memref<72x64xf32, #tpu.memory_space<vmem>>)
      %add3A_810 = arith.addi %mul3A_2, %add3A_787 : i32
      %dma_start3A_811 = arith.constant 1 : i32
      %dma_start3A_812 = arith.constant 0 : i32
      %dma_start3A_813 = arith.constant 0 : i32
      %dma_start3A_814 = tpu.memref_slice %arg6[%dma_start3A_811, %dma_start3A_812, %dma_start3A_813] : memref<4x200x64xf32, #tpu.memory_space<vmem>> -> memref<1x200x64xf32, #tpu.memory_space<vmem>>
      %dma_start3A_815 = tpu.memref_squeeze %dma_start3A_814 : memref<1x200x64xf32, #tpu.memory_space<vmem>> -> memref<200x64xf32, #tpu.memory_space<vmem>>
      %dma_start3A_816 = arith.constant 0 : i32
      %dma_start3A_817 = arith.constant 0 : i32
      %dma_start3A_818 = tpu.memref_slice %arg4[%add3A_810, %dma_start3A_816, %dma_start3A_817] : memref<4096x200x64xf32, #tpu.memory_space<hbm>> -> memref<1x200x64xf32, #tpu.memory_space<hbm>>
      %dma_start3A_819 = tpu.memref_squeeze %dma_start3A_818 : memref<1x200x64xf32, #tpu.memory_space<hbm>> -> memref<200x64xf32, #tpu.memory_space<hbm>>
      %dma_start3A_820 = arith.constant 0 : i32
      %dma_start3A_821 = arith.constant 0 : i32
      %dma_start3A_822 = tpu.memref_slice %arg4[%add3A_810, %dma_start3A_820, %dma_start3A_821] : memref<4096x200x64xf32, #tpu.memory_space<hbm>> -> memref<1x200x64xf32, #tpu.memory_space<hbm>>
      %dma_start3A_823 = tpu.memref_squeeze %dma_start3A_822 : memref<1x200x64xf32, #tpu.memory_space<hbm>> -> memref<200x64xf32, #tpu.memory_space<hbm>>
      %dma_start3A_824 = arith.constant 0 : i32
      %dma_start3A_825 = arith.constant 0 : i32
      %dma_start3A_826 = tpu.memref_slice %arg6[%dma_start3A_811, %dma_start3A_824, %dma_start3A_825] : memref<4x200x64xf32, #tpu.memory_space<vmem>> -> memref<1x200x64xf32, #tpu.memory_space<vmem>>
      %dma_start3A_827 = tpu.memref_squeeze %dma_start3A_826 : memref<1x200x64xf32, #tpu.memory_space<vmem>> -> memref<200x64xf32, #tpu.memory_space<vmem>>
      tpu.enqueue_dma source(%dma_start3A_827 : memref<200x64xf32, #tpu.memory_space<vmem>>) target(%dma_start3A_823 : memref<200x64xf32, #tpu.memory_space<hbm>>) target_semaphore(%arg12 : memref<!tpu.dma_semaphore, #tpu.memory_space<semaphore_mem>>)
      %sub3A_828 = arith.constant 1 : i32
      %sub3A_829 = arith.subi %add3A_787, %sub3A_828 : i32
      %add3A_830 = arith.addi %mul3A_2, %sub3A_829 : i32
      %dma_wait3A_831 = arith.constant 0 : i32
      %dma_wait3A_832 = arith.constant 0 : i32
      %dma_wait3A_833 = arith.constant 0 : i32
      %dma_wait3A_834 = tpu.memref_slice %arg6[%dma_wait3A_831, %dma_wait3A_832, %dma_wait3A_833] : memref<4x200x64xf32, #tpu.memory_space<vmem>> -> memref<1x200x64xf32, #tpu.memory_space<vmem>>
      %dma_wait3A_835 = tpu.memref_squeeze %dma_wait3A_834 : memref<1x200x64xf32, #tpu.memory_space<vmem>> -> memref<200x64xf32, #tpu.memory_space<vmem>>
      %dma_wait3A_836 = arith.constant 0 : i32
      %dma_wait3A_837 = arith.constant 0 : i32
      %dma_wait3A_838 = tpu.memref_slice %arg4[%add3A_830, %dma_wait3A_836, %dma_wait3A_837] : memref<4096x200x64xf32, #tpu.memory_space<hbm>> -> memref<1x200x64xf32, #tpu.memory_space<hbm>>
      %dma_wait3A_839 = tpu.memref_squeeze %dma_wait3A_838 : memref<1x200x64xf32, #tpu.memory_space<hbm>> -> memref<200x64xf32, #tpu.memory_space<hbm>>
      %dma_wait3A_840 = arith.constant 0 : i32
      %dma_wait3A_841 = arith.constant 0 : i32
      %dma_wait3A_842 = tpu.memref_slice %arg4[%add3A_830, %dma_wait3A_840, %dma_wait3A_841] : memref<4096x200x64xf32, #tpu.memory_space<hbm>> -> memref<1x200x64xf32, #tpu.memory_space<hbm>>
      %dma_wait3A_843 = tpu.memref_squeeze %dma_wait3A_842 : memref<1x200x64xf32, #tpu.memory_space<hbm>> -> memref<200x64xf32, #tpu.memory_space<hbm>>
      %dma_wait3A_844 = arith.constant 0 : i32
      %dma_wait3A_845 = arith.constant 0 : i32
      %dma_wait3A_846 = tpu.memref_slice %arg6[%dma_wait3A_831, %dma_wait3A_844, %dma_wait3A_845] : memref<4x200x64xf32, #tpu.memory_space<vmem>> -> memref<1x200x64xf32, #tpu.memory_space<vmem>>
      %dma_wait3A_847 = tpu.memref_squeeze %dma_wait3A_846 : memref<1x200x64xf32, #tpu.memory_space<vmem>> -> memref<200x64xf32, #tpu.memory_space<vmem>>
      tpu.wait_dma2 semaphore(%arg11 : memref<!tpu.dma_semaphore, #tpu.memory_space<semaphore_mem>>) src(%dma_wait3A_847 : memref<200x64xf32, #tpu.memory_space<vmem>>) dst(%dma_wait3A_843 : memref<200x64xf32, #tpu.memory_space<hbm>>)
      %add3A_848 = arith.constant 4 : i32
      %add3A_849 = arith.addi %add3A_787, %add3A_848 : i32
      %sub3A_850 = arith.constant 1 : i32
      %sub3A_851 = arith.subi %add3A_849, %sub3A_850 : i32
      %dma_start3A_852 = arith.constant 0 : i32
      %dma_start3A_853 = arith.constant 0 : i32
      %dma_start3A_854 = arith.constant 0 : i32
      %dma_start3A_855 = tpu.memref_slice %arg6[%dma_start3A_852, %dma_start3A_853, %dma_start3A_854] : memref<4x200x64xf32, #tpu.memory_space<vmem>> -> memref<1x128x64xf32, #tpu.memory_space<vmem>>
      %dma_start3A_856 = tpu.memref_squeeze %dma_start3A_855 : memref<1x128x64xf32, #tpu.memory_space<vmem>> -> memref<128x64xf32, #tpu.memory_space<vmem>>
      %dma_start3A_857 = arith.constant 0 : i32
      %dma_start3A_858 = tpu.memref_slice %arg5[%sub3A_851, %dma_start3A_857] : memref<128x200xi32, #tpu.memory_space<vmem>> -> memref<1x128xi32, #tpu.memory_space<vmem>>
      %dma_start3A_859 = tpu.memref_squeeze %dma_start3A_858 : memref<1x128xi32, #tpu.memory_space<vmem>> -> memref<128xi32, #tpu.memory_space<vmem>>
      %dma_start3A_860 = arith.constant 0 : i32
      %dma_start3A_861 = arith.constant 0 : i32
      %dma_start3A_862 = tpu.memref_slice %arg3[%dma_start3A_860, %dma_start3A_861] : memref<1000000x64xf32, #tpu.memory_space<hbm>> -> memref<1000000x64xf32, #tpu.memory_space<hbm>>
      tpu.enqueue_indirect_dma source(%dma_start3A_862 : memref<1000000x64xf32, #tpu.memory_space<hbm>>) target(%dma_start3A_856 : memref<128x64xf32, #tpu.memory_space<vmem>>) offsets(%dma_start3A_859 : memref<128xi32, #tpu.memory_space<vmem>>) semaphore(%arg7 : memref<!tpu.dma_semaphore, #tpu.memory_space<semaphore_mem>>)
      %dma_start3A_863 = arith.constant 0 : i32
      %dma_start3A_864 = arith.constant 128 : i32
      %dma_start3A_865 = arith.constant 0 : i32
      %dma_start3A_866 = tpu.memref_slice %arg6[%dma_start3A_863, %dma_start3A_864, %dma_start3A_865] : memref<4x200x64xf32, #tpu.memory_space<vmem>> -> memref<1x72x64xf32, #tpu.memory_space<vmem>>
      %dma_start3A_867 = tpu.memref_squeeze %dma_start3A_866 : memref<1x72x64xf32, #tpu.memory_space<vmem>> -> memref<72x64xf32, #tpu.memory_space<vmem>>
      %dma_start3A_868 = arith.constant 128 : i32
      %dma_start3A_869 = tpu.memref_slice %arg5[%sub3A_851, %dma_start3A_868] : memref<128x200xi32, #tpu.memory_space<vmem>> -> memref<1x72xi32, #tpu.memory_space<vmem>>
      %dma_start3A_870 = tpu.memref_squeeze %dma_start3A_869 : memref<1x72xi32, #tpu.memory_space<vmem>> -> memref<72xi32, #tpu.memory_space<vmem>>
      %dma_start3A_871 = arith.constant 0 : i32
      %dma_start3A_872 = arith.constant 0 : i32
      %dma_start3A_873 = tpu.memref_slice %arg3[%dma_start3A_871, %dma_start3A_872] : memref<1000000x64xf32, #tpu.memory_space<hbm>> -> memref<1000000x64xf32, #tpu.memory_space<hbm>>
      tpu.enqueue_indirect_dma source(%dma_start3A_873 : memref<1000000x64xf32, #tpu.memory_space<hbm>>) target(%dma_start3A_867 : memref<72x64xf32, #tpu.memory_space<vmem>>) offsets(%dma_start3A_870 : memref<72xi32, #tpu.memory_space<vmem>>) semaphore(%arg7 : memref<!tpu.dma_semaphore, #tpu.memory_space<semaphore_mem>>)
      %mul3A_874 = arith.constant 4 : i32
      %mul3A_875 = arith.muli %scan3A_694, %mul3A_874 : i32
      %add3A_876 = arith.constant 2 : i32
      %add3A_877 = arith.addi %mul3A_875, %add3A_876 : i32
      %dma_wait3A_878 = arith.constant 2 : i32
      %dma_wait3A_879 = arith.constant 0 : i32
      %dma_wait3A_880 = arith.constant 0 : i32
      %dma_wait3A_881 = tpu.memref_slice %arg6[%dma_wait3A_878, %dma_wait3A_879, %dma_wait3A_880] : memref<4x200x64xf32, #tpu.memory_space<vmem>> -> memref<1x128x64xf32, #tpu.memory_space<vmem>>
      %dma_wait3A_882 = tpu.memref_squeeze %dma_wait3A_881 : memref<1x128x64xf32, #tpu.memory_space<vmem>> -> memref<128x64xf32, #tpu.memory_space<vmem>>
      %dma_wait3A_883 = arith.constant 0 : i32
      %dma_wait3A_884 = tpu.memref_slice %arg5[%add3A_877, %dma_wait3A_883] : memref<128x200xi32, #tpu.memory_space<vmem>> -> memref<1x128xi32, #tpu.memory_space<vmem>>
      %dma_wait3A_885 = tpu.memref_squeeze %dma_wait3A_884 : memref<1x128xi32, #tpu.memory_space<vmem>> -> memref<128xi32, #tpu.memory_space<vmem>>
      %dma_wait3A_886 = arith.constant 0 : i32
      %dma_wait3A_887 = arith.constant 0 : i32
      %dma_wait3A_888 = tpu.memref_slice %arg3[%dma_wait3A_886, %dma_wait3A_887] : memref<1000000x64xf32, #tpu.memory_space<hbm>> -> memref<1000000x64xf32, #tpu.memory_space<hbm>>
      tpu.wait_indirect_dma semaphore(%arg9 : memref<!tpu.dma_semaphore, #tpu.memory_space<semaphore_mem>>) src(%dma_wait3A_888 : memref<1000000x64xf32, #tpu.memory_space<hbm>>) dst(%dma_wait3A_882 : memref<128x64xf32, #tpu.memory_space<vmem>>)
      %dma_wait3A_889 = arith.constant 2 : i32
      %dma_wait3A_890 = arith.constant 128 : i32
      %dma_wait3A_891 = arith.constant 0 : i32
      %dma_wait3A_892 = tpu.memref_slice %arg6[%dma_wait3A_889, %dma_wait3A_890, %dma_wait3A_891] : memref<4x200x64xf32, #tpu.memory_space<vmem>> -> memref<1x72x64xf32, #tpu.memory_space<vmem>>
      %dma_wait3A_893 = tpu.memref_squeeze %dma_wait3A_892 : memref<1x72x64xf32, #tpu.memory_space<vmem>> -> memref<72x64xf32, #tpu.memory_space<vmem>>
      %dma_wait3A_894 = arith.constant 128 : i32
      %dma_wait3A_895 = tpu.memref_slice %arg5[%add3A_877, %dma_wait3A_894] : memref<128x200xi32, #tpu.memory_space<vmem>> -> memref<1x72xi32, #tpu.memory_space<vmem>>
      %dma_wait3A_896 = tpu.memref_squeeze %dma_wait3A_895 : memref<1x72xi32, #tpu.memory_space<vmem>> -> memref<72xi32, #tpu.memory_space<vmem>>
      %dma_wait3A_897 = arith.constant 0 : i32
      %dma_wait3A_898 = arith.constant 0 : i32
      %dma_wait3A_899 = tpu.memref_slice %arg3[%dma_wait3A_897, %dma_wait3A_898] : memref<1000000x64xf32, #tpu.memory_space<hbm>> -> memref<1000000x64xf32, #tpu.memory_space<hbm>>
      tpu.wait_indirect_dma semaphore(%arg9 : memref<!tpu.dma_semaphore, #tpu.memory_space<semaphore_mem>>) src(%dma_wait3A_899 : memref<1000000x64xf32, #tpu.memory_space<hbm>>) dst(%dma_wait3A_893 : memref<72x64xf32, #tpu.memory_space<vmem>>)
      %add3A_900 = arith.addi %mul3A_2, %add3A_877 : i32
      %dma_start3A_901 = arith.constant 2 : i32
      %dma_start3A_902 = arith.constant 0 : i32
      %dma_start3A_903 = arith.constant 0 : i32
      %dma_start3A_904 = tpu.memref_slice %arg6[%dma_start3A_901, %dma_start3A_902, %dma_start3A_903] : memref<4x200x64xf32, #tpu.memory_space<vmem>> -> memref<1x200x64xf32, #tpu.memory_space<vmem>>
      %dma_start3A_905 = tpu.memref_squeeze %dma_start3A_904 : memref<1x200x64xf32, #tpu.memory_space<vmem>> -> memref<200x64xf32, #tpu.memory_space<vmem>>
      %dma_start3A_906 = arith.constant 0 : i32
      %dma_start3A_907 = arith.constant 0 : i32
      %dma_start3A_908 = tpu.memref_slice %arg4[%add3A_900, %dma_start3A_906, %dma_start3A_907] : memref<4096x200x64xf32, #tpu.memory_space<hbm>> -> memref<1x200x64xf32, #tpu.memory_space<hbm>>
      %dma_start3A_909 = tpu.memref_squeeze %dma_start3A_908 : memref<1x200x64xf32, #tpu.memory_space<hbm>> -> memref<200x64xf32, #tpu.memory_space<hbm>>
      %dma_start3A_910 = arith.constant 0 : i32
      %dma_start3A_911 = arith.constant 0 : i32
      %dma_start3A_912 = tpu.memref_slice %arg4[%add3A_900, %dma_start3A_910, %dma_start3A_911] : memref<4096x200x64xf32, #tpu.memory_space<hbm>> -> memref<1x200x64xf32, #tpu.memory_space<hbm>>
      %dma_start3A_913 = tpu.memref_squeeze %dma_start3A_912 : memref<1x200x64xf32, #tpu.memory_space<hbm>> -> memref<200x64xf32, #tpu.memory_space<hbm>>
      %dma_start3A_914 = arith.constant 0 : i32
      %dma_start3A_915 = arith.constant 0 : i32
      %dma_start3A_916 = tpu.memref_slice %arg6[%dma_start3A_901, %dma_start3A_914, %dma_start3A_915] : memref<4x200x64xf32, #tpu.memory_space<vmem>> -> memref<1x200x64xf32, #tpu.memory_space<vmem>>
      %dma_start3A_917 = tpu.memref_squeeze %dma_start3A_916 : memref<1x200x64xf32, #tpu.memory_space<vmem>> -> memref<200x64xf32, #tpu.memory_space<vmem>>
      tpu.enqueue_dma source(%dma_start3A_917 : memref<200x64xf32, #tpu.memory_space<vmem>>) target(%dma_start3A_913 : memref<200x64xf32, #tpu.memory_space<hbm>>) target_semaphore(%arg13 : memref<!tpu.dma_semaphore, #tpu.memory_space<semaphore_mem>>)
      %sub3A_918 = arith.constant 1 : i32
      %sub3A_919 = arith.subi %add3A_877, %sub3A_918 : i32
      %add3A_920 = arith.addi %mul3A_2, %sub3A_919 : i32
      %dma_wait3A_921 = arith.constant 1 : i32
      %dma_wait3A_922 = arith.constant 0 : i32
      %dma_wait3A_923 = arith.constant 0 : i32
      %dma_wait3A_924 = tpu.memref_slice %arg6[%dma_wait3A_921, %dma_wait3A_922, %dma_wait3A_923] : memref<4x200x64xf32, #tpu.memory_space<vmem>> -> memref<1x200x64xf32, #tpu.memory_space<vmem>>
      %dma_wait3A_925 = tpu.memref_squeeze %dma_wait3A_924 : memref<1x200x64xf32, #tpu.memory_space<vmem>> -> memref<200x64xf32, #tpu.memory_space<vmem>>
      %dma_wait3A_926 = arith.constant 0 : i32
      %dma_wait3A_927 = arith.constant 0 : i32
      %dma_wait3A_928 = tpu.memref_slice %arg4[%add3A_920, %dma_wait3A_926, %dma_wait3A_927] : memref<4096x200x64xf32, #tpu.memory_space<hbm>> -> memref<1x200x64xf32, #tpu.memory_space<hbm>>
      %dma_wait3A_929 = tpu.memref_squeeze %dma_wait3A_928 : memref<1x200x64xf32, #tpu.memory_space<hbm>> -> memref<200x64xf32, #tpu.memory_space<hbm>>
      %dma_wait3A_930 = arith.constant 0 : i32
      %dma_wait3A_931 = arith.constant 0 : i32
      %dma_wait3A_932 = tpu.memref_slice %arg4[%add3A_920, %dma_wait3A_930, %dma_wait3A_931] : memref<4096x200x64xf32, #tpu.memory_space<hbm>> -> memref<1x200x64xf32, #tpu.memory_space<hbm>>
      %dma_wait3A_933 = tpu.memref_squeeze %dma_wait3A_932 : memref<1x200x64xf32, #tpu.memory_space<hbm>> -> memref<200x64xf32, #tpu.memory_space<hbm>>
      %dma_wait3A_934 = arith.constant 0 : i32
      %dma_wait3A_935 = arith.constant 0 : i32
      %dma_wait3A_936 = tpu.memref_slice %arg6[%dma_wait3A_921, %dma_wait3A_934, %dma_wait3A_935] : memref<4x200x64xf32, #tpu.memory_space<vmem>> -> memref<1x200x64xf32, #tpu.memory_space<vmem>>
      %dma_wait3A_937 = tpu.memref_squeeze %dma_wait3A_936 : memref<1x200x64xf32, #tpu.memory_space<vmem>> -> memref<200x64xf32, #tpu.memory_space<vmem>>
      tpu.wait_dma2 semaphore(%arg12 : memref<!tpu.dma_semaphore, #tpu.memory_space<semaphore_mem>>) src(%dma_wait3A_937 : memref<200x64xf32, #tpu.memory_space<vmem>>) dst(%dma_wait3A_933 : memref<200x64xf32, #tpu.memory_space<hbm>>)
      %add3A_938 = arith.constant 4 : i32
      %add3A_939 = arith.addi %add3A_877, %add3A_938 : i32
      %sub3A_940 = arith.constant 1 : i32
      %sub3A_941 = arith.subi %add3A_939, %sub3A_940 : i32
      %dma_start3A_942 = arith.constant 1 : i32
      %dma_start3A_943 = arith.constant 0 : i32
      %dma_start3A_944 = arith.constant 0 : i32
      %dma_start3A_945 = tpu.memref_slice %arg6[%dma_start3A_942, %dma_start3A_943, %dma_start3A_944] : memref<4x200x64xf32, #tpu.memory_space<vmem>> -> memref<1x128x64xf32, #tpu.memory_space<vmem>>
      %dma_start3A_946 = tpu.memref_squeeze %dma_start3A_945 : memref<1x128x64xf32, #tpu.memory_space<vmem>> -> memref<128x64xf32, #tpu.memory_space<vmem>>
      %dma_start3A_947 = arith.constant 0 : i32
      %dma_start3A_948 = tpu.memref_slice %arg5[%sub3A_941, %dma_start3A_947] : memref<128x200xi32, #tpu.memory_space<vmem>> -> memref<1x128xi32, #tpu.memory_space<vmem>>
      %dma_start3A_949 = tpu.memref_squeeze %dma_start3A_948 : memref<1x128xi32, #tpu.memory_space<vmem>> -> memref<128xi32, #tpu.memory_space<vmem>>
      %dma_start3A_950 = arith.constant 0 : i32
      %dma_start3A_951 = arith.constant 0 : i32
      %dma_start3A_952 = tpu.memref_slice %arg3[%dma_start3A_950, %dma_start3A_951] : memref<1000000x64xf32, #tpu.memory_space<hbm>> -> memref<1000000x64xf32, #tpu.memory_space<hbm>>
      tpu.enqueue_indirect_dma source(%dma_start3A_952 : memref<1000000x64xf32, #tpu.memory_space<hbm>>) target(%dma_start3A_946 : memref<128x64xf32, #tpu.memory_space<vmem>>) offsets(%dma_start3A_949 : memref<128xi32, #tpu.memory_space<vmem>>) semaphore(%arg8 : memref<!tpu.dma_semaphore, #tpu.memory_space<semaphore_mem>>)
      %dma_start3A_953 = arith.constant 1 : i32
      %dma_start3A_954 = arith.constant 128 : i32
      %dma_start3A_955 = arith.constant 0 : i32
      %dma_start3A_956 = tpu.memref_slice %arg6[%dma_start3A_953, %dma_start3A_954, %dma_start3A_955] : memref<4x200x64xf32, #tpu.memory_space<vmem>> -> memref<1x72x64xf32, #tpu.memory_space<vmem>>
      %dma_start3A_957 = tpu.memref_squeeze %dma_start3A_956 : memref<1x72x64xf32, #tpu.memory_space<vmem>> -> memref<72x64xf32, #tpu.memory_space<vmem>>
      %dma_start3A_958 = arith.constant 128 : i32
      %dma_start3A_959 = tpu.memref_slice %arg5[%sub3A_941, %dma_start3A_958] : memref<128x200xi32, #tpu.memory_space<vmem>> -> memref<1x72xi32, #tpu.memory_space<vmem>>
      %dma_start3A_960 = tpu.memref_squeeze %dma_start3A_959 : memref<1x72xi32, #tpu.memory_space<vmem>> -> memref<72xi32, #tpu.memory_space<vmem>>
      %dma_start3A_961 = arith.constant 0 : i32
      %dma_start3A_962 = arith.constant 0 : i32
      %dma_start3A_963 = tpu.memref_slice %arg3[%dma_start3A_961, %dma_start3A_962] : memref<1000000x64xf32, #tpu.memory_space<hbm>> -> memref<1000000x64xf32, #tpu.memory_space<hbm>>
      tpu.enqueue_indirect_dma source(%dma_start3A_963 : memref<1000000x64xf32, #tpu.memory_space<hbm>>) target(%dma_start3A_957 : memref<72x64xf32, #tpu.memory_space<vmem>>) offsets(%dma_start3A_960 : memref<72xi32, #tpu.memory_space<vmem>>) semaphore(%arg8 : memref<!tpu.dma_semaphore, #tpu.memory_space<semaphore_mem>>)
      %mul3A_964 = arith.constant 4 : i32
      %mul3A_965 = arith.muli %scan3A_694, %mul3A_964 : i32
      %add3A_966 = arith.constant 3 : i32
      %add3A_967 = arith.addi %mul3A_965, %add3A_966 : i32
      %dma_wait3A_968 = arith.constant 3 : i32
      %dma_wait3A_969 = arith.constant 0 : i32
      %dma_wait3A_970 = arith.constant 0 : i32
      %dma_wait3A_971 = tpu.memref_slice %arg6[%dma_wait3A_968, %dma_wait3A_969, %dma_wait3A_970] : memref<4x200x64xf32, #tpu.memory_space<vmem>> -> memref<1x128x64xf32, #tpu.memory_space<vmem>>
      %dma_wait3A_972 = tpu.memref_squeeze %dma_wait3A_971 : memref<1x128x64xf32, #tpu.memory_space<vmem>> -> memref<128x64xf32, #tpu.memory_space<vmem>>
      %dma_wait3A_973 = arith.constant 0 : i32
      %dma_wait3A_974 = tpu.memref_slice %arg5[%add3A_967, %dma_wait3A_973] : memref<128x200xi32, #tpu.memory_space<vmem>> -> memref<1x128xi32, #tpu.memory_space<vmem>>
      %dma_wait3A_975 = tpu.memref_squeeze %dma_wait3A_974 : memref<1x128xi32, #tpu.memory_space<vmem>> -> memref<128xi32, #tpu.memory_space<vmem>>
      %dma_wait3A_976 = arith.constant 0 : i32
      %dma_wait3A_977 = arith.constant 0 : i32
      %dma_wait3A_978 = tpu.memref_slice %arg3[%dma_wait3A_976, %dma_wait3A_977] : memref<1000000x64xf32, #tpu.memory_space<hbm>> -> memref<1000000x64xf32, #tpu.memory_space<hbm>>
      tpu.wait_indirect_dma semaphore(%arg10 : memref<!tpu.dma_semaphore, #tpu.memory_space<semaphore_mem>>) src(%dma_wait3A_978 : memref<1000000x64xf32, #tpu.memory_space<hbm>>) dst(%dma_wait3A_972 : memref<128x64xf32, #tpu.memory_space<vmem>>)
      %dma_wait3A_979 = arith.constant 3 : i32
      %dma_wait3A_980 = arith.constant 128 : i32
      %dma_wait3A_981 = arith.constant 0 : i32
      %dma_wait3A_982 = tpu.memref_slice %arg6[%dma_wait3A_979, %dma_wait3A_980, %dma_wait3A_981] : memref<4x200x64xf32, #tpu.memory_space<vmem>> -> memref<1x72x64xf32, #tpu.memory_space<vmem>>
      %dma_wait3A_983 = tpu.memref_squeeze %dma_wait3A_982 : memref<1x72x64xf32, #tpu.memory_space<vmem>> -> memref<72x64xf32, #tpu.memory_space<vmem>>
      %dma_wait3A_984 = arith.constant 128 : i32
      %dma_wait3A_985 = tpu.memref_slice %arg5[%add3A_967, %dma_wait3A_984] : memref<128x200xi32, #tpu.memory_space<vmem>> -> memref<1x72xi32, #tpu.memory_space<vmem>>
      %dma_wait3A_986 = tpu.memref_squeeze %dma_wait3A_985 : memref<1x72xi32, #tpu.memory_space<vmem>> -> memref<72xi32, #tpu.memory_space<vmem>>
      %dma_wait3A_987 = arith.constant 0 : i32
      %dma_wait3A_988 = arith.constant 0 : i32
      %dma_wait3A_989 = tpu.memref_slice %arg3[%dma_wait3A_987, %dma_wait3A_988] : memref<1000000x64xf32, #tpu.memory_space<hbm>> -> memref<1000000x64xf32, #tpu.memory_space<hbm>>
      tpu.wait_indirect_dma semaphore(%arg10 : memref<!tpu.dma_semaphore, #tpu.memory_space<semaphore_mem>>) src(%dma_wait3A_989 : memref<1000000x64xf32, #tpu.memory_space<hbm>>) dst(%dma_wait3A_983 : memref<72x64xf32, #tpu.memory_space<vmem>>)
      %add3A_990 = arith.addi %mul3A_2, %add3A_967 : i32
      %dma_start3A_991 = arith.constant 3 : i32
      %dma_start3A_992 = arith.constant 0 : i32
      %dma_start3A_993 = arith.constant 0 : i32
      %dma_start3A_994 = tpu.memref_slice %arg6[%dma_start3A_991, %dma_start3A_992, %dma_start3A_993] : memref<4x200x64xf32, #tpu.memory_space<vmem>> -> memref<1x200x64xf32, #tpu.memory_space<vmem>>
      %dma_start3A_995 = tpu.memref_squeeze %dma_start3A_994 : memref<1x200x64xf32, #tpu.memory_space<vmem>> -> memref<200x64xf32, #tpu.memory_space<vmem>>
      %dma_start3A_996 = arith.constant 0 : i32
      %dma_start3A_997 = arith.constant 0 : i32
      %dma_start3A_998 = tpu.memref_slice %arg4[%add3A_990, %dma_start3A_996, %dma_start3A_997] : memref<4096x200x64xf32, #tpu.memory_space<hbm>> -> memref<1x200x64xf32, #tpu.memory_space<hbm>>
      %dma_start3A_999 = tpu.memref_squeeze %dma_start3A_998 : memref<1x200x64xf32, #tpu.memory_space<hbm>> -> memref<200x64xf32, #tpu.memory_space<hbm>>
      %dma_start3A_1000 = arith.constant 0 : i32
      %dma_start3A_1001 = arith.constant 0 : i32
      %dma_start3A_1002 = tpu.memref_slice %arg4[%add3A_990, %dma_start3A_1000, %dma_start3A_1001] : memref<4096x200x64xf32, #tpu.memory_space<hbm>> -> memref<1x200x64xf32, #tpu.memory_space<hbm>>
      %dma_start3A_1003 = tpu.memref_squeeze %dma_start3A_1002 : memref<1x200x64xf32, #tpu.memory_space<hbm>> -> memref<200x64xf32, #tpu.memory_space<hbm>>
      %dma_start3A_1004 = arith.constant 0 : i32
      %dma_start3A_1005 = arith.constant 0 : i32
      %dma_start3A_1006 = tpu.memref_slice %arg6[%dma_start3A_991, %dma_start3A_1004, %dma_start3A_1005] : memref<4x200x64xf32, #tpu.memory_space<vmem>> -> memref<1x200x64xf32, #tpu.memory_space<vmem>>
      %dma_start3A_1007 = tpu.memref_squeeze %dma_start3A_1006 : memref<1x200x64xf32, #tpu.memory_space<vmem>> -> memref<200x64xf32, #tpu.memory_space<vmem>>
      tpu.enqueue_dma source(%dma_start3A_1007 : memref<200x64xf32, #tpu.memory_space<vmem>>) target(%dma_start3A_1003 : memref<200x64xf32, #tpu.memory_space<hbm>>) target_semaphore(%arg14 : memref<!tpu.dma_semaphore, #tpu.memory_space<semaphore_mem>>)
      %sub3A_1008 = arith.constant 1 : i32
      %sub3A_1009 = arith.subi %add3A_967, %sub3A_1008 : i32
      %add3A_1010 = arith.addi %mul3A_2, %sub3A_1009 : i32
      %dma_wait3A_1011 = arith.constant 2 : i32
      %dma_wait3A_1012 = arith.constant 0 : i32
      %dma_wait3A_1013 = arith.constant 0 : i32
      %dma_wait3A_1014 = tpu.memref_slice %arg6[%dma_wait3A_1011, %dma_wait3A_1012, %dma_wait3A_1013] : memref<4x200x64xf32, #tpu.memory_space<vmem>> -> memref<1x200x64xf32, #tpu.memory_space<vmem>>
      %dma_wait3A_1015 = tpu.memref_squeeze %dma_wait3A_1014 : memref<1x200x64xf32, #tpu.memory_space<vmem>> -> memref<200x64xf32, #tpu.memory_space<vmem>>
      %dma_wait3A_1016 = arith.constant 0 : i32
      %dma_wait3A_1017 = arith.constant 0 : i32
      %dma_wait3A_1018 = tpu.memref_slice %arg4[%add3A_1010, %dma_wait3A_1016, %dma_wait3A_1017] : memref<4096x200x64xf32, #tpu.memory_space<hbm>> -> memref<1x200x64xf32, #tpu.memory_space<hbm>>
      %dma_wait3A_1019 = tpu.memref_squeeze %dma_wait3A_1018 : memref<1x200x64xf32, #tpu.memory_space<hbm>> -> memref<200x64xf32, #tpu.memory_space<hbm>>
      %dma_wait3A_1020 = arith.constant 0 : i32
      %dma_wait3A_1021 = arith.constant 0 : i32
      %dma_wait3A_1022 = tpu.memref_slice %arg4[%add3A_1010, %dma_wait3A_1020, %dma_wait3A_1021] : memref<4096x200x64xf32, #tpu.memory_space<hbm>> -> memref<1x200x64xf32, #tpu.memory_space<hbm>>
      %dma_wait3A_1023 = tpu.memref_squeeze %dma_wait3A_1022 : memref<1x200x64xf32, #tpu.memory_space<hbm>> -> memref<200x64xf32, #tpu.memory_space<hbm>>
      %dma_wait3A_1024 = arith.constant 0 : i32
      %dma_wait3A_1025 = arith.constant 0 : i32
      %dma_wait3A_1026 = tpu.memref_slice %arg6[%dma_wait3A_1011, %dma_wait3A_1024, %dma_wait3A_1025] : memref<4x200x64xf32, #tpu.memory_space<vmem>> -> memref<1x200x64xf32, #tpu.memory_space<vmem>>
      %dma_wait3A_1027 = tpu.memref_squeeze %dma_wait3A_1026 : memref<1x200x64xf32, #tpu.memory_space<vmem>> -> memref<200x64xf32, #tpu.memory_space<vmem>>
      tpu.wait_dma2 semaphore(%arg13 : memref<!tpu.dma_semaphore, #tpu.memory_space<semaphore_mem>>) src(%dma_wait3A_1027 : memref<200x64xf32, #tpu.memory_space<vmem>>) dst(%dma_wait3A_1023 : memref<200x64xf32, #tpu.memory_space<hbm>>)
      %add3A_1028 = arith.constant 4 : i32
      %add3A_1029 = arith.addi %add3A_967, %add3A_1028 : i32
      %sub3A_1030 = arith.constant 1 : i32
      %sub3A_1031 = arith.subi %add3A_1029, %sub3A_1030 : i32
      %dma_start3A_1032 = arith.constant 2 : i32
      %dma_start3A_1033 = arith.constant 0 : i32
      %dma_start3A_1034 = arith.constant 0 : i32
      %dma_start3A_1035 = tpu.memref_slice %arg6[%dma_start3A_1032, %dma_start3A_1033, %dma_start3A_1034] : memref<4x200x64xf32, #tpu.memory_space<vmem>> -> memref<1x128x64xf32, #tpu.memory_space<vmem>>
      %dma_start3A_1036 = tpu.memref_squeeze %dma_start3A_1035 : memref<1x128x64xf32, #tpu.memory_space<vmem>> -> memref<128x64xf32, #tpu.memory_space<vmem>>
      %dma_start3A_1037 = arith.constant 0 : i32
      %dma_start3A_1038 = tpu.memref_slice %arg5[%sub3A_1031, %dma_start3A_1037] : memref<128x200xi32, #tpu.memory_space<vmem>> -> memref<1x128xi32, #tpu.memory_space<vmem>>
      %dma_start3A_1039 = tpu.memref_squeeze %dma_start3A_1038 : memref<1x128xi32, #tpu.memory_space<vmem>> -> memref<128xi32, #tpu.memory_space<vmem>>
      %dma_start3A_1040 = arith.constant 0 : i32
      %dma_start3A_1041 = arith.constant 0 : i32
      %dma_start3A_1042 = tpu.memref_slice %arg3[%dma_start3A_1040, %dma_start3A_1041] : memref<1000000x64xf32, #tpu.memory_space<hbm>> -> memref<1000000x64xf32, #tpu.memory_space<hbm>>
      tpu.enqueue_indirect_dma source(%dma_start3A_1042 : memref<1000000x64xf32, #tpu.memory_space<hbm>>) target(%dma_start3A_1036 : memref<128x64xf32, #tpu.memory_space<vmem>>) offsets(%dma_start3A_1039 : memref<128xi32, #tpu.memory_space<vmem>>) semaphore(%arg9 : memref<!tpu.dma_semaphore, #tpu.memory_space<semaphore_mem>>)
      %dma_start3A_1043 = arith.constant 2 : i32
      %dma_start3A_1044 = arith.constant 128 : i32
      %dma_start3A_1045 = arith.constant 0 : i32
      %dma_start3A_1046 = tpu.memref_slice %arg6[%dma_start3A_1043, %dma_start3A_1044, %dma_start3A_1045] : memref<4x200x64xf32, #tpu.memory_space<vmem>> -> memref<1x72x64xf32, #tpu.memory_space<vmem>>
      %dma_start3A_1047 = tpu.memref_squeeze %dma_start3A_1046 : memref<1x72x64xf32, #tpu.memory_space<vmem>> -> memref<72x64xf32, #tpu.memory_space<vmem>>
      %dma_start3A_1048 = arith.constant 128 : i32
      %dma_start3A_1049 = tpu.memref_slice %arg5[%sub3A_1031, %dma_start3A_1048] : memref<128x200xi32, #tpu.memory_space<vmem>> -> memref<1x72xi32, #tpu.memory_space<vmem>>
      %dma_start3A_1050 = tpu.memref_squeeze %dma_start3A_1049 : memref<1x72xi32, #tpu.memory_space<vmem>> -> memref<72xi32, #tpu.memory_space<vmem>>
      %dma_start3A_1051 = arith.constant 0 : i32
      %dma_start3A_1052 = arith.constant 0 : i32
      %dma_start3A_1053 = tpu.memref_slice %arg3[%dma_start3A_1051, %dma_start3A_1052] : memref<1000000x64xf32, #tpu.memory_space<hbm>> -> memref<1000000x64xf32, #tpu.memory_space<hbm>>
      tpu.enqueue_indirect_dma source(%dma_start3A_1053 : memref<1000000x64xf32, #tpu.memory_space<hbm>>) target(%dma_start3A_1047 : memref<72x64xf32, #tpu.memory_space<vmem>>) offsets(%dma_start3A_1050 : memref<72xi32, #tpu.memory_space<vmem>>) semaphore(%arg9 : memref<!tpu.dma_semaphore, #tpu.memory_space<semaphore_mem>>)
    }
    %scan3A_402 = arith.constant 30 : i32
    %dma_wait3A_403 = arith.constant 124 : i32
    %dma_wait3A_404 = arith.constant 0 : i32
    %dma_wait3A_405 = arith.constant 0 : i32
    %dma_wait3A_406 = arith.constant 0 : i32
    %dma_wait3A_407 = tpu.memref_slice %arg6[%dma_wait3A_404, %dma_wait3A_405, %dma_wait3A_406] : memref<4x200x64xf32, #tpu.memory_space<vmem>> -> memref<1x128x64xf32, #tpu.memory_space<vmem>>
    %dma_wait3A_408 = tpu.memref_squeeze %dma_wait3A_407 : memref<1x128x64xf32, #tpu.memory_space<vmem>> -> memref<128x64xf32, #tpu.memory_space<vmem>>
    %dma_wait3A_409 = arith.constant 0 : i32
    %dma_wait3A_410 = tpu.memref_slice %arg5[%dma_wait3A_403, %dma_wait3A_409] : memref<128x200xi32, #tpu.memory_space<vmem>> -> memref<1x128xi32, #tpu.memory_space<vmem>>
    %dma_wait3A_411 = tpu.memref_squeeze %dma_wait3A_410 : memref<1x128xi32, #tpu.memory_space<vmem>> -> memref<128xi32, #tpu.memory_space<vmem>>
    %dma_wait3A_412 = arith.constant 0 : i32
    %dma_wait3A_413 = arith.constant 0 : i32
    %dma_wait3A_414 = tpu.memref_slice %arg3[%dma_wait3A_412, %dma_wait3A_413] : memref<1000000x64xf32, #tpu.memory_space<hbm>> -> memref<1000000x64xf32, #tpu.memory_space<hbm>>
    tpu.wait_indirect_dma semaphore(%arg7 : memref<!tpu.dma_semaphore, #tpu.memory_space<semaphore_mem>>) src(%dma_wait3A_414 : memref<1000000x64xf32, #tpu.memory_space<hbm>>) dst(%dma_wait3A_408 : memref<128x64xf32, #tpu.memory_space<vmem>>)
    %dma_wait3A_415 = arith.constant 124 : i32
    %dma_wait3A_416 = arith.constant 0 : i32
    %dma_wait3A_417 = arith.constant 128 : i32
    %dma_wait3A_418 = arith.constant 0 : i32
    %dma_wait3A_419 = tpu.memref_slice %arg6[%dma_wait3A_416, %dma_wait3A_417, %dma_wait3A_418] : memref<4x200x64xf32, #tpu.memory_space<vmem>> -> memref<1x72x64xf32, #tpu.memory_space<vmem>>
    %dma_wait3A_420 = tpu.memref_squeeze %dma_wait3A_419 : memref<1x72x64xf32, #tpu.memory_space<vmem>> -> memref<72x64xf32, #tpu.memory_space<vmem>>
    %dma_wait3A_421 = arith.constant 128 : i32
    %dma_wait3A_422 = tpu.memref_slice %arg5[%dma_wait3A_415, %dma_wait3A_421] : memref<128x200xi32, #tpu.memory_space<vmem>> -> memref<1x72xi32, #tpu.memory_space<vmem>>
    %dma_wait3A_423 = tpu.memref_squeeze %dma_wait3A_422 : memref<1x72xi32, #tpu.memory_space<vmem>> -> memref<72xi32, #tpu.memory_space<vmem>>
    %dma_wait3A_424 = arith.constant 0 : i32
    %dma_wait3A_425 = arith.constant 0 : i32
    %dma_wait3A_426 = tpu.memref_slice %arg3[%dma_wait3A_424, %dma_wait3A_425] : memref<1000000x64xf32, #tpu.memory_space<hbm>> -> memref<1000000x64xf32, #tpu.memory_space<hbm>>
    tpu.wait_indirect_dma semaphore(%arg7 : memref<!tpu.dma_semaphore, #tpu.memory_space<semaphore_mem>>) src(%dma_wait3A_426 : memref<1000000x64xf32, #tpu.memory_space<hbm>>) dst(%dma_wait3A_420 : memref<72x64xf32, #tpu.memory_space<vmem>>)
    %add3A_427 = arith.constant 124 : i32
    %add3A_428 = arith.addi %mul3A_2, %add3A_427 : i32
    %dma_start3A_429 = arith.constant 0 : i32
    %dma_start3A_430 = arith.constant 0 : i32
    %dma_start3A_431 = arith.constant 0 : i32
    %dma_start3A_432 = tpu.memref_slice %arg6[%dma_start3A_429, %dma_start3A_430, %dma_start3A_431] : memref<4x200x64xf32, #tpu.memory_space<vmem>> -> memref<1x200x64xf32, #tpu.memory_space<vmem>>
    %dma_start3A_433 = tpu.memref_squeeze %dma_start3A_432 : memref<1x200x64xf32, #tpu.memory_space<vmem>> -> memref<200x64xf32, #tpu.memory_space<vmem>>
    %dma_start3A_434 = arith.constant 0 : i32
    %dma_start3A_435 = arith.constant 0 : i32
    %dma_start3A_436 = tpu.memref_slice %arg4[%add3A_428, %dma_start3A_434, %dma_start3A_435] : memref<4096x200x64xf32, #tpu.memory_space<hbm>> -> memref<1x200x64xf32, #tpu.memory_space<hbm>>
    %dma_start3A_437 = tpu.memref_squeeze %dma_start3A_436 : memref<1x200x64xf32, #tpu.memory_space<hbm>> -> memref<200x64xf32, #tpu.memory_space<hbm>>
    %dma_start3A_438 = arith.constant 0 : i32
    %dma_start3A_439 = arith.constant 0 : i32
    %dma_start3A_440 = tpu.memref_slice %arg4[%add3A_428, %dma_start3A_438, %dma_start3A_439] : memref<4096x200x64xf32, #tpu.memory_space<hbm>> -> memref<1x200x64xf32, #tpu.memory_space<hbm>>
    %dma_start3A_441 = tpu.memref_squeeze %dma_start3A_440 : memref<1x200x64xf32, #tpu.memory_space<hbm>> -> memref<200x64xf32, #tpu.memory_space<hbm>>
    %dma_start3A_442 = arith.constant 0 : i32
    %dma_start3A_443 = arith.constant 0 : i32
    %dma_start3A_444 = tpu.memref_slice %arg6[%dma_start3A_429, %dma_start3A_442, %dma_start3A_443] : memref<4x200x64xf32, #tpu.memory_space<vmem>> -> memref<1x200x64xf32, #tpu.memory_space<vmem>>
    %dma_start3A_445 = tpu.memref_squeeze %dma_start3A_444 : memref<1x200x64xf32, #tpu.memory_space<vmem>> -> memref<200x64xf32, #tpu.memory_space<vmem>>
    tpu.enqueue_dma source(%dma_start3A_445 : memref<200x64xf32, #tpu.memory_space<vmem>>) target(%dma_start3A_441 : memref<200x64xf32, #tpu.memory_space<hbm>>) target_semaphore(%arg11 : memref<!tpu.dma_semaphore, #tpu.memory_space<semaphore_mem>>)
    %add3A_446 = arith.constant 123 : i32
    %add3A_447 = arith.addi %mul3A_2, %add3A_446 : i32
    %dma_wait3A_448 = arith.constant 3 : i32
    %dma_wait3A_449 = arith.constant 0 : i32
    %dma_wait3A_450 = arith.constant 0 : i32
    %dma_wait3A_451 = tpu.memref_slice %arg6[%dma_wait3A_448, %dma_wait3A_449, %dma_wait3A_450] : memref<4x200x64xf32, #tpu.memory_space<vmem>> -> memref<1x200x64xf32, #tpu.memory_space<vmem>>
    %dma_wait3A_452 = tpu.memref_squeeze %dma_wait3A_451 : memref<1x200x64xf32, #tpu.memory_space<vmem>> -> memref<200x64xf32, #tpu.memory_space<vmem>>
    %dma_wait3A_453 = arith.constant 0 : i32
    %dma_wait3A_454 = arith.constant 0 : i32
    %dma_wait3A_455 = tpu.memref_slice %arg4[%add3A_447, %dma_wait3A_453, %dma_wait3A_454] : memref<4096x200x64xf32, #tpu.memory_space<hbm>> -> memref<1x200x64xf32, #tpu.memory_space<hbm>>
    %dma_wait3A_456 = tpu.memref_squeeze %dma_wait3A_455 : memref<1x200x64xf32, #tpu.memory_space<hbm>> -> memref<200x64xf32, #tpu.memory_space<hbm>>
    %dma_wait3A_457 = arith.constant 0 : i32
    %dma_wait3A_458 = arith.constant 0 : i32
    %dma_wait3A_459 = tpu.memref_slice %arg4[%add3A_447, %dma_wait3A_457, %dma_wait3A_458] : memref<4096x200x64xf32, #tpu.memory_space<hbm>> -> memref<1x200x64xf32, #tpu.memory_space<hbm>>
    %dma_wait3A_460 = tpu.memref_squeeze %dma_wait3A_459 : memref<1x200x64xf32, #tpu.memory_space<hbm>> -> memref<200x64xf32, #tpu.memory_space<hbm>>
    %dma_wait3A_461 = arith.constant 0 : i32
    %dma_wait3A_462 = arith.constant 0 : i32
    %dma_wait3A_463 = tpu.memref_slice %arg6[%dma_wait3A_448, %dma_wait3A_461, %dma_wait3A_462] : memref<4x200x64xf32, #tpu.memory_space<vmem>> -> memref<1x200x64xf32, #tpu.memory_space<vmem>>
    %dma_wait3A_464 = tpu.memref_squeeze %dma_wait3A_463 : memref<1x200x64xf32, #tpu.memory_space<vmem>> -> memref<200x64xf32, #tpu.memory_space<vmem>>
    tpu.wait_dma2 semaphore(%arg14 : memref<!tpu.dma_semaphore, #tpu.memory_space<semaphore_mem>>) src(%dma_wait3A_464 : memref<200x64xf32, #tpu.memory_space<vmem>>) dst(%dma_wait3A_460 : memref<200x64xf32, #tpu.memory_space<hbm>>)
    %dma_start3A_465 = arith.constant 127 : i32
    %dma_start3A_466 = arith.constant 3 : i32
    %dma_start3A_467 = arith.constant 0 : i32
    %dma_start3A_468 = arith.constant 0 : i32
    %dma_start3A_469 = tpu.memref_slice %arg6[%dma_start3A_466, %dma_start3A_467, %dma_start3A_468] : memref<4x200x64xf32, #tpu.memory_space<vmem>> -> memref<1x128x64xf32, #tpu.memory_space<vmem>>
    %dma_start3A_470 = tpu.memref_squeeze %dma_start3A_469 : memref<1x128x64xf32, #tpu.memory_space<vmem>> -> memref<128x64xf32, #tpu.memory_space<vmem>>
    %dma_start3A_471 = arith.constant 0 : i32
    %dma_start3A_472 = tpu.memref_slice %arg5[%dma_start3A_465, %dma_start3A_471] : memref<128x200xi32, #tpu.memory_space<vmem>> -> memref<1x128xi32, #tpu.memory_space<vmem>>
    %dma_start3A_473 = tpu.memref_squeeze %dma_start3A_472 : memref<1x128xi32, #tpu.memory_space<vmem>> -> memref<128xi32, #tpu.memory_space<vmem>>
    %dma_start3A_474 = arith.constant 0 : i32
    %dma_start3A_475 = arith.constant 0 : i32
    %dma_start3A_476 = tpu.memref_slice %arg3[%dma_start3A_474, %dma_start3A_475] : memref<1000000x64xf32, #tpu.memory_space<hbm>> -> memref<1000000x64xf32, #tpu.memory_space<hbm>>
    tpu.enqueue_indirect_dma source(%dma_start3A_476 : memref<1000000x64xf32, #tpu.memory_space<hbm>>) target(%dma_start3A_470 : memref<128x64xf32, #tpu.memory_space<vmem>>) offsets(%dma_start3A_473 : memref<128xi32, #tpu.memory_space<vmem>>) semaphore(%arg10 : memref<!tpu.dma_semaphore, #tpu.memory_space<semaphore_mem>>)
    %dma_start3A_477 = arith.constant 127 : i32
    %dma_start3A_478 = arith.constant 3 : i32
    %dma_start3A_479 = arith.constant 128 : i32
    %dma_start3A_480 = arith.constant 0 : i32
    %dma_start3A_481 = tpu.memref_slice %arg6[%dma_start3A_478, %dma_start3A_479, %dma_start3A_480] : memref<4x200x64xf32, #tpu.memory_space<vmem>> -> memref<1x72x64xf32, #tpu.memory_space<vmem>>
    %dma_start3A_482 = tpu.memref_squeeze %dma_start3A_481 : memref<1x72x64xf32, #tpu.memory_space<vmem>> -> memref<72x64xf32, #tpu.memory_space<vmem>>
    %dma_start3A_483 = arith.constant 128 : i32
    %dma_start3A_484 = tpu.memref_slice %arg5[%dma_start3A_477, %dma_start3A_483] : memref<128x200xi32, #tpu.memory_space<vmem>> -> memref<1x72xi32, #tpu.memory_space<vmem>>
    %dma_start3A_485 = tpu.memref_squeeze %dma_start3A_484 : memref<1x72xi32, #tpu.memory_space<vmem>> -> memref<72xi32, #tpu.memory_space<vmem>>
    %dma_start3A_486 = arith.constant 0 : i32
    %dma_start3A_487 = arith.constant 0 : i32
    %dma_start3A_488 = tpu.memref_slice %arg3[%dma_start3A_486, %dma_start3A_487] : memref<1000000x64xf32, #tpu.memory_space<hbm>> -> memref<1000000x64xf32, #tpu.memory_space<hbm>>
    tpu.enqueue_indirect_dma source(%dma_start3A_488 : memref<1000000x64xf32, #tpu.memory_space<hbm>>) target(%dma_start3A_482 : memref<72x64xf32, #tpu.memory_space<vmem>>) offsets(%dma_start3A_485 : memref<72xi32, #tpu.memory_space<vmem>>) semaphore(%arg10 : memref<!tpu.dma_semaphore, #tpu.memory_space<semaphore_mem>>)
    %dma_wait3A_489 = arith.constant 125 : i32
    %dma_wait3A_490 = arith.constant 1 : i32
    %dma_wait3A_491 = arith.constant 0 : i32
    %dma_wait3A_492 = arith.constant 0 : i32
    %dma_wait3A_493 = tpu.memref_slice %arg6[%dma_wait3A_490, %dma_wait3A_491, %dma_wait3A_492] : memref<4x200x64xf32, #tpu.memory_space<vmem>> -> memref<1x128x64xf32, #tpu.memory_space<vmem>>
    %dma_wait3A_494 = tpu.memref_squeeze %dma_wait3A_493 : memref<1x128x64xf32, #tpu.memory_space<vmem>> -> memref<128x64xf32, #tpu.memory_space<vmem>>
    %dma_wait3A_495 = arith.constant 0 : i32
    %dma_wait3A_496 = tpu.memref_slice %arg5[%dma_wait3A_489, %dma_wait3A_495] : memref<128x200xi32, #tpu.memory_space<vmem>> -> memref<1x128xi32, #tpu.memory_space<vmem>>
    %dma_wait3A_497 = tpu.memref_squeeze %dma_wait3A_496 : memref<1x128xi32, #tpu.memory_space<vmem>> -> memref<128xi32, #tpu.memory_space<vmem>>
    %dma_wait3A_498 = arith.constant 0 : i32
    %dma_wait3A_499 = arith.constant 0 : i32
    %dma_wait3A_500 = tpu.memref_slice %arg3[%dma_wait3A_498, %dma_wait3A_499] : memref<1000000x64xf32, #tpu.memory_space<hbm>> -> memref<1000000x64xf32, #tpu.memory_space<hbm>>
    tpu.wait_indirect_dma semaphore(%arg8 : memref<!tpu.dma_semaphore, #tpu.memory_space<semaphore_mem>>) src(%dma_wait3A_500 : memref<1000000x64xf32, #tpu.memory_space<hbm>>) dst(%dma_wait3A_494 : memref<128x64xf32, #tpu.memory_space<vmem>>)
    %dma_wait3A_501 = arith.constant 125 : i32
    %dma_wait3A_502 = arith.constant 1 : i32
    %dma_wait3A_503 = arith.constant 128 : i32
    %dma_wait3A_504 = arith.constant 0 : i32
    %dma_wait3A_505 = tpu.memref_slice %arg6[%dma_wait3A_502, %dma_wait3A_503, %dma_wait3A_504] : memref<4x200x64xf32, #tpu.memory_space<vmem>> -> memref<1x72x64xf32, #tpu.memory_space<vmem>>
    %dma_wait3A_506 = tpu.memref_squeeze %dma_wait3A_505 : memref<1x72x64xf32, #tpu.memory_space<vmem>> -> memref<72x64xf32, #tpu.memory_space<vmem>>
    %dma_wait3A_507 = arith.constant 128 : i32
    %dma_wait3A_508 = tpu.memref_slice %arg5[%dma_wait3A_501, %dma_wait3A_507] : memref<128x200xi32, #tpu.memory_space<vmem>> -> memref<1x72xi32, #tpu.memory_space<vmem>>
    %dma_wait3A_509 = tpu.memref_squeeze %dma_wait3A_508 : memref<1x72xi32, #tpu.memory_space<vmem>> -> memref<72xi32, #tpu.memory_space<vmem>>
    %dma_wait3A_510 = arith.constant 0 : i32
    %dma_wait3A_511 = arith.constant 0 : i32
    %dma_wait3A_512 = tpu.memref_slice %arg3[%dma_wait3A_510, %dma_wait3A_511] : memref<1000000x64xf32, #tpu.memory_space<hbm>> -> memref<1000000x64xf32, #tpu.memory_space<hbm>>
    tpu.wait_indirect_dma semaphore(%arg8 : memref<!tpu.dma_semaphore, #tpu.memory_space<semaphore_mem>>) src(%dma_wait3A_512 : memref<1000000x64xf32, #tpu.memory_space<hbm>>) dst(%dma_wait3A_506 : memref<72x64xf32, #tpu.memory_space<vmem>>)
    %add3A_513 = arith.constant 125 : i32
    %add3A_514 = arith.addi %mul3A_2, %add3A_513 : i32
    %dma_start3A_515 = arith.constant 1 : i32
    %dma_start3A_516 = arith.constant 0 : i32
    %dma_start3A_517 = arith.constant 0 : i32
    %dma_start3A_518 = tpu.memref_slice %arg6[%dma_start3A_515, %dma_start3A_516, %dma_start3A_517] : memref<4x200x64xf32, #tpu.memory_space<vmem>> -> memref<1x200x64xf32, #tpu.memory_space<vmem>>
    %dma_start3A_519 = tpu.memref_squeeze %dma_start3A_518 : memref<1x200x64xf32, #tpu.memory_space<vmem>> -> memref<200x64xf32, #tpu.memory_space<vmem>>
    %dma_start3A_520 = arith.constant 0 : i32
    %dma_start3A_521 = arith.constant 0 : i32
    %dma_start3A_522 = tpu.memref_slice %arg4[%add3A_514, %dma_start3A_520, %dma_start3A_521] : memref<4096x200x64xf32, #tpu.memory_space<hbm>> -> memref<1x200x64xf32, #tpu.memory_space<hbm>>
    %dma_start3A_523 = tpu.memref_squeeze %dma_start3A_522 : memref<1x200x64xf32, #tpu.memory_space<hbm>> -> memref<200x64xf32, #tpu.memory_space<hbm>>
    %dma_start3A_524 = arith.constant 0 : i32
    %dma_start3A_525 = arith.constant 0 : i32
    %dma_start3A_526 = tpu.memref_slice %arg4[%add3A_514, %dma_start3A_524, %dma_start3A_525] : memref<4096x200x64xf32, #tpu.memory_space<hbm>> -> memref<1x200x64xf32, #tpu.memory_space<hbm>>
    %dma_start3A_527 = tpu.memref_squeeze %dma_start3A_526 : memref<1x200x64xf32, #tpu.memory_space<hbm>> -> memref<200x64xf32, #tpu.memory_space<hbm>>
    %dma_start3A_528 = arith.constant 0 : i32
    %dma_start3A_529 = arith.constant 0 : i32
    %dma_start3A_530 = tpu.memref_slice %arg6[%dma_start3A_515, %dma_start3A_528, %dma_start3A_529] : memref<4x200x64xf32, #tpu.memory_space<vmem>> -> memref<1x200x64xf32, #tpu.memory_space<vmem>>
    %dma_start3A_531 = tpu.memref_squeeze %dma_start3A_530 : memref<1x200x64xf32, #tpu.memory_space<vmem>> -> memref<200x64xf32, #tpu.memory_space<vmem>>
    tpu.enqueue_dma source(%dma_start3A_531 : memref<200x64xf32, #tpu.memory_space<vmem>>) target(%dma_start3A_527 : memref<200x64xf32, #tpu.memory_space<hbm>>) target_semaphore(%arg12 : memref<!tpu.dma_semaphore, #tpu.memory_space<semaphore_mem>>)
    %add3A_532 = arith.constant 124 : i32
    %add3A_533 = arith.addi %mul3A_2, %add3A_532 : i32
    %dma_wait3A_534 = arith.constant 0 : i32
    %dma_wait3A_535 = arith.constant 0 : i32
    %dma_wait3A_536 = arith.constant 0 : i32
    %dma_wait3A_537 = tpu.memref_slice %arg6[%dma_wait3A_534, %dma_wait3A_535, %dma_wait3A_536] : memref<4x200x64xf32, #tpu.memory_space<vmem>> -> memref<1x200x64xf32, #tpu.memory_space<vmem>>
    %dma_wait3A_538 = tpu.memref_squeeze %dma_wait3A_537 : memref<1x200x64xf32, #tpu.memory_space<vmem>> -> memref<200x64xf32, #tpu.memory_space<vmem>>
    %dma_wait3A_539 = arith.constant 0 : i32
    %dma_wait3A_540 = arith.constant 0 : i32
    %dma_wait3A_541 = tpu.memref_slice %arg4[%add3A_533, %dma_wait3A_539, %dma_wait3A_540] : memref<4096x200x64xf32, #tpu.memory_space<hbm>> -> memref<1x200x64xf32, #tpu.memory_space<hbm>>
    %dma_wait3A_542 = tpu.memref_squeeze %dma_wait3A_541 : memref<1x200x64xf32, #tpu.memory_space<hbm>> -> memref<200x64xf32, #tpu.memory_space<hbm>>
    %dma_wait3A_543 = arith.constant 0 : i32
    %dma_wait3A_544 = arith.constant 0 : i32
    %dma_wait3A_545 = tpu.memref_slice %arg4[%add3A_533, %dma_wait3A_543, %dma_wait3A_544] : memref<4096x200x64xf32, #tpu.memory_space<hbm>> -> memref<1x200x64xf32, #tpu.memory_space<hbm>>
    %dma_wait3A_546 = tpu.memref_squeeze %dma_wait3A_545 : memref<1x200x64xf32, #tpu.memory_space<hbm>> -> memref<200x64xf32, #tpu.memory_space<hbm>>
    %dma_wait3A_547 = arith.constant 0 : i32
    %dma_wait3A_548 = arith.constant 0 : i32
    %dma_wait3A_549 = tpu.memref_slice %arg6[%dma_wait3A_534, %dma_wait3A_547, %dma_wait3A_548] : memref<4x200x64xf32, #tpu.memory_space<vmem>> -> memref<1x200x64xf32, #tpu.memory_space<vmem>>
    %dma_wait3A_550 = tpu.memref_squeeze %dma_wait3A_549 : memref<1x200x64xf32, #tpu.memory_space<vmem>> -> memref<200x64xf32, #tpu.memory_space<vmem>>
    tpu.wait_dma2 semaphore(%arg11 : memref<!tpu.dma_semaphore, #tpu.memory_space<semaphore_mem>>) src(%dma_wait3A_550 : memref<200x64xf32, #tpu.memory_space<vmem>>) dst(%dma_wait3A_546 : memref<200x64xf32, #tpu.memory_space<hbm>>)
    %dma_wait3A_551 = arith.constant 126 : i32
    %dma_wait3A_552 = arith.constant 2 : i32
    %dma_wait3A_553 = arith.constant 0 : i32
    %dma_wait3A_554 = arith.constant 0 : i32
    %dma_wait3A_555 = tpu.memref_slice %arg6[%dma_wait3A_552, %dma_wait3A_553, %dma_wait3A_554] : memref<4x200x64xf32, #tpu.memory_space<vmem>> -> memref<1x128x64xf32, #tpu.memory_space<vmem>>
    %dma_wait3A_556 = tpu.memref_squeeze %dma_wait3A_555 : memref<1x128x64xf32, #tpu.memory_space<vmem>> -> memref<128x64xf32, #tpu.memory_space<vmem>>
    %dma_wait3A_557 = arith.constant 0 : i32
    %dma_wait3A_558 = tpu.memref_slice %arg5[%dma_wait3A_551, %dma_wait3A_557] : memref<128x200xi32, #tpu.memory_space<vmem>> -> memref<1x128xi32, #tpu.memory_space<vmem>>
    %dma_wait3A_559 = tpu.memref_squeeze %dma_wait3A_558 : memref<1x128xi32, #tpu.memory_space<vmem>> -> memref<128xi32, #tpu.memory_space<vmem>>
    %dma_wait3A_560 = arith.constant 0 : i32
    %dma_wait3A_561 = arith.constant 0 : i32
    %dma_wait3A_562 = tpu.memref_slice %arg3[%dma_wait3A_560, %dma_wait3A_561] : memref<1000000x64xf32, #tpu.memory_space<hbm>> -> memref<1000000x64xf32, #tpu.memory_space<hbm>>
    tpu.wait_indirect_dma semaphore(%arg9 : memref<!tpu.dma_semaphore, #tpu.memory_space<semaphore_mem>>) src(%dma_wait3A_562 : memref<1000000x64xf32, #tpu.memory_space<hbm>>) dst(%dma_wait3A_556 : memref<128x64xf32, #tpu.memory_space<vmem>>)
    %dma_wait3A_563 = arith.constant 126 : i32
    %dma_wait3A_564 = arith.constant 2 : i32
    %dma_wait3A_565 = arith.constant 128 : i32
    %dma_wait3A_566 = arith.constant 0 : i32
    %dma_wait3A_567 = tpu.memref_slice %arg6[%dma_wait3A_564, %dma_wait3A_565, %dma_wait3A_566] : memref<4x200x64xf32, #tpu.memory_space<vmem>> -> memref<1x72x64xf32, #tpu.memory_space<vmem>>
    %dma_wait3A_568 = tpu.memref_squeeze %dma_wait3A_567 : memref<1x72x64xf32, #tpu.memory_space<vmem>> -> memref<72x64xf32, #tpu.memory_space<vmem>>
    %dma_wait3A_569 = arith.constant 128 : i32
    %dma_wait3A_570 = tpu.memref_slice %arg5[%dma_wait3A_563, %dma_wait3A_569] : memref<128x200xi32, #tpu.memory_space<vmem>> -> memref<1x72xi32, #tpu.memory_space<vmem>>
    %dma_wait3A_571 = tpu.memref_squeeze %dma_wait3A_570 : memref<1x72xi32, #tpu.memory_space<vmem>> -> memref<72xi32, #tpu.memory_space<vmem>>
    %dma_wait3A_572 = arith.constant 0 : i32
    %dma_wait3A_573 = arith.constant 0 : i32
    %dma_wait3A_574 = tpu.memref_slice %arg3[%dma_wait3A_572, %dma_wait3A_573] : memref<1000000x64xf32, #tpu.memory_space<hbm>> -> memref<1000000x64xf32, #tpu.memory_space<hbm>>
    tpu.wait_indirect_dma semaphore(%arg9 : memref<!tpu.dma_semaphore, #tpu.memory_space<semaphore_mem>>) src(%dma_wait3A_574 : memref<1000000x64xf32, #tpu.memory_space<hbm>>) dst(%dma_wait3A_568 : memref<72x64xf32, #tpu.memory_space<vmem>>)
    %add3A_575 = arith.constant 126 : i32
    %add3A_576 = arith.addi %mul3A_2, %add3A_575 : i32
    %dma_start3A_577 = arith.constant 2 : i32
    %dma_start3A_578 = arith.constant 0 : i32
    %dma_start3A_579 = arith.constant 0 : i32
    %dma_start3A_580 = tpu.memref_slice %arg6[%dma_start3A_577, %dma_start3A_578, %dma_start3A_579] : memref<4x200x64xf32, #tpu.memory_space<vmem>> -> memref<1x200x64xf32, #tpu.memory_space<vmem>>
    %dma_start3A_581 = tpu.memref_squeeze %dma_start3A_580 : memref<1x200x64xf32, #tpu.memory_space<vmem>> -> memref<200x64xf32, #tpu.memory_space<vmem>>
    %dma_start3A_582 = arith.constant 0 : i32
    %dma_start3A_583 = arith.constant 0 : i32
    %dma_start3A_584 = tpu.memref_slice %arg4[%add3A_576, %dma_start3A_582, %dma_start3A_583] : memref<4096x200x64xf32, #tpu.memory_space<hbm>> -> memref<1x200x64xf32, #tpu.memory_space<hbm>>
    %dma_start3A_585 = tpu.memref_squeeze %dma_start3A_584 : memref<1x200x64xf32, #tpu.memory_space<hbm>> -> memref<200x64xf32, #tpu.memory_space<hbm>>
    %dma_start3A_586 = arith.constant 0 : i32
    %dma_start3A_587 = arith.constant 0 : i32
    %dma_start3A_588 = tpu.memref_slice %arg4[%add3A_576, %dma_start3A_586, %dma_start3A_587] : memref<4096x200x64xf32, #tpu.memory_space<hbm>> -> memref<1x200x64xf32, #tpu.memory_space<hbm>>
    %dma_start3A_589 = tpu.memref_squeeze %dma_start3A_588 : memref<1x200x64xf32, #tpu.memory_space<hbm>> -> memref<200x64xf32, #tpu.memory_space<hbm>>
    %dma_start3A_590 = arith.constant 0 : i32
    %dma_start3A_591 = arith.constant 0 : i32
    %dma_start3A_592 = tpu.memref_slice %arg6[%dma_start3A_577, %dma_start3A_590, %dma_start3A_591] : memref<4x200x64xf32, #tpu.memory_space<vmem>> -> memref<1x200x64xf32, #tpu.memory_space<vmem>>
    %dma_start3A_593 = tpu.memref_squeeze %dma_start3A_592 : memref<1x200x64xf32, #tpu.memory_space<vmem>> -> memref<200x64xf32, #tpu.memory_space<vmem>>
    tpu.enqueue_dma source(%dma_start3A_593 : memref<200x64xf32, #tpu.memory_space<vmem>>) target(%dma_start3A_589 : memref<200x64xf32, #tpu.memory_space<hbm>>) target_semaphore(%arg13 : memref<!tpu.dma_semaphore, #tpu.memory_space<semaphore_mem>>)
    %add3A_594 = arith.constant 125 : i32
    %add3A_595 = arith.addi %mul3A_2, %add3A_594 : i32
    %dma_wait3A_596 = arith.constant 1 : i32
    %dma_wait3A_597 = arith.constant 0 : i32
    %dma_wait3A_598 = arith.constant 0 : i32
    %dma_wait3A_599 = tpu.memref_slice %arg6[%dma_wait3A_596, %dma_wait3A_597, %dma_wait3A_598] : memref<4x200x64xf32, #tpu.memory_space<vmem>> -> memref<1x200x64xf32, #tpu.memory_space<vmem>>
    %dma_wait3A_600 = tpu.memref_squeeze %dma_wait3A_599 : memref<1x200x64xf32, #tpu.memory_space<vmem>> -> memref<200x64xf32, #tpu.memory_space<vmem>>
    %dma_wait3A_601 = arith.constant 0 : i32
    %dma_wait3A_602 = arith.constant 0 : i32
    %dma_wait3A_603 = tpu.memref_slice %arg4[%add3A_595, %dma_wait3A_601, %dma_wait3A_602] : memref<4096x200x64xf32, #tpu.memory_space<hbm>> -> memref<1x200x64xf32, #tpu.memory_space<hbm>>
    %dma_wait3A_604 = tpu.memref_squeeze %dma_wait3A_603 : memref<1x200x64xf32, #tpu.memory_space<hbm>> -> memref<200x64xf32, #tpu.memory_space<hbm>>
    %dma_wait3A_605 = arith.constant 0 : i32
    %dma_wait3A_606 = arith.constant 0 : i32
    %dma_wait3A_607 = tpu.memref_slice %arg4[%add3A_595, %dma_wait3A_605, %dma_wait3A_606] : memref<4096x200x64xf32, #tpu.memory_space<hbm>> -> memref<1x200x64xf32, #tpu.memory_space<hbm>>
    %dma_wait3A_608 = tpu.memref_squeeze %dma_wait3A_607 : memref<1x200x64xf32, #tpu.memory_space<hbm>> -> memref<200x64xf32, #tpu.memory_space<hbm>>
    %dma_wait3A_609 = arith.constant 0 : i32
    %dma_wait3A_610 = arith.constant 0 : i32
    %dma_wait3A_611 = tpu.memref_slice %arg6[%dma_wait3A_596, %dma_wait3A_609, %dma_wait3A_610] : memref<4x200x64xf32, #tpu.memory_space<vmem>> -> memref<1x200x64xf32, #tpu.memory_space<vmem>>
    %dma_wait3A_612 = tpu.memref_squeeze %dma_wait3A_611 : memref<1x200x64xf32, #tpu.memory_space<vmem>> -> memref<200x64xf32, #tpu.memory_space<vmem>>
    tpu.wait_dma2 semaphore(%arg12 : memref<!tpu.dma_semaphore, #tpu.memory_space<semaphore_mem>>) src(%dma_wait3A_612 : memref<200x64xf32, #tpu.memory_space<vmem>>) dst(%dma_wait3A_608 : memref<200x64xf32, #tpu.memory_space<hbm>>)
    %dma_wait3A_613 = arith.constant 127 : i32
    %dma_wait3A_614 = arith.constant 3 : i32
    %dma_wait3A_615 = arith.constant 0 : i32
    %dma_wait3A_616 = arith.constant 0 : i32
    %dma_wait3A_617 = tpu.memref_slice %arg6[%dma_wait3A_614, %dma_wait3A_615, %dma_wait3A_616] : memref<4x200x64xf32, #tpu.memory_space<vmem>> -> memref<1x128x64xf32, #tpu.memory_space<vmem>>
    %dma_wait3A_618 = tpu.memref_squeeze %dma_wait3A_617 : memref<1x128x64xf32, #tpu.memory_space<vmem>> -> memref<128x64xf32, #tpu.memory_space<vmem>>
    %dma_wait3A_619 = arith.constant 0 : i32
    %dma_wait3A_620 = tpu.memref_slice %arg5[%dma_wait3A_613, %dma_wait3A_619] : memref<128x200xi32, #tpu.memory_space<vmem>> -> memref<1x128xi32, #tpu.memory_space<vmem>>
    %dma_wait3A_621 = tpu.memref_squeeze %dma_wait3A_620 : memref<1x128xi32, #tpu.memory_space<vmem>> -> memref<128xi32, #tpu.memory_space<vmem>>
    %dma_wait3A_622 = arith.constant 0 : i32
    %dma_wait3A_623 = arith.constant 0 : i32
    %dma_wait3A_624 = tpu.memref_slice %arg3[%dma_wait3A_622, %dma_wait3A_623] : memref<1000000x64xf32, #tpu.memory_space<hbm>> -> memref<1000000x64xf32, #tpu.memory_space<hbm>>
    tpu.wait_indirect_dma semaphore(%arg10 : memref<!tpu.dma_semaphore, #tpu.memory_space<semaphore_mem>>) src(%dma_wait3A_624 : memref<1000000x64xf32, #tpu.memory_space<hbm>>) dst(%dma_wait3A_618 : memref<128x64xf32, #tpu.memory_space<vmem>>)
    %dma_wait3A_625 = arith.constant 127 : i32
    %dma_wait3A_626 = arith.constant 3 : i32
    %dma_wait3A_627 = arith.constant 128 : i32
    %dma_wait3A_628 = arith.constant 0 : i32
    %dma_wait3A_629 = tpu.memref_slice %arg6[%dma_wait3A_626, %dma_wait3A_627, %dma_wait3A_628] : memref<4x200x64xf32, #tpu.memory_space<vmem>> -> memref<1x72x64xf32, #tpu.memory_space<vmem>>
    %dma_wait3A_630 = tpu.memref_squeeze %dma_wait3A_629 : memref<1x72x64xf32, #tpu.memory_space<vmem>> -> memref<72x64xf32, #tpu.memory_space<vmem>>
    %dma_wait3A_631 = arith.constant 128 : i32
    %dma_wait3A_632 = tpu.memref_slice %arg5[%dma_wait3A_625, %dma_wait3A_631] : memref<128x200xi32, #tpu.memory_space<vmem>> -> memref<1x72xi32, #tpu.memory_space<vmem>>
    %dma_wait3A_633 = tpu.memref_squeeze %dma_wait3A_632 : memref<1x72xi32, #tpu.memory_space<vmem>> -> memref<72xi32, #tpu.memory_space<vmem>>
    %dma_wait3A_634 = arith.constant 0 : i32
    %dma_wait3A_635 = arith.constant 0 : i32
    %dma_wait3A_636 = tpu.memref_slice %arg3[%dma_wait3A_634, %dma_wait3A_635] : memref<1000000x64xf32, #tpu.memory_space<hbm>> -> memref<1000000x64xf32, #tpu.memory_space<hbm>>
    tpu.wait_indirect_dma semaphore(%arg10 : memref<!tpu.dma_semaphore, #tpu.memory_space<semaphore_mem>>) src(%dma_wait3A_636 : memref<1000000x64xf32, #tpu.memory_space<hbm>>) dst(%dma_wait3A_630 : memref<72x64xf32, #tpu.memory_space<vmem>>)
    %add3A_637 = arith.constant 127 : i32
    %add3A_638 = arith.addi %mul3A_2, %add3A_637 : i32
    %dma_start3A_639 = arith.constant 3 : i32
    %dma_start3A_640 = arith.constant 0 : i32
    %dma_start3A_641 = arith.constant 0 : i32
    %dma_start3A_642 = tpu.memref_slice %arg6[%dma_start3A_639, %dma_start3A_640, %dma_start3A_641] : memref<4x200x64xf32, #tpu.memory_space<vmem>> -> memref<1x200x64xf32, #tpu.memory_space<vmem>>
    %dma_start3A_643 = tpu.memref_squeeze %dma_start3A_642 : memref<1x200x64xf32, #tpu.memory_space<vmem>> -> memref<200x64xf32, #tpu.memory_space<vmem>>
    %dma_start3A_644 = arith.constant 0 : i32
    %dma_start3A_645 = arith.constant 0 : i32
    %dma_start3A_646 = tpu.memref_slice %arg4[%add3A_638, %dma_start3A_644, %dma_start3A_645] : memref<4096x200x64xf32, #tpu.memory_space<hbm>> -> memref<1x200x64xf32, #tpu.memory_space<hbm>>
    %dma_start3A_647 = tpu.memref_squeeze %dma_start3A_646 : memref<1x200x64xf32, #tpu.memory_space<hbm>> -> memref<200x64xf32, #tpu.memory_space<hbm>>
    %dma_start3A_648 = arith.constant 0 : i32
    %dma_start3A_649 = arith.constant 0 : i32
    %dma_start3A_650 = tpu.memref_slice %arg4[%add3A_638, %dma_start3A_648, %dma_start3A_649] : memref<4096x200x64xf32, #tpu.memory_space<hbm>> -> memref<1x200x64xf32, #tpu.memory_space<hbm>>
    %dma_start3A_651 = tpu.memref_squeeze %dma_start3A_650 : memref<1x200x64xf32, #tpu.memory_space<hbm>> -> memref<200x64xf32, #tpu.memory_space<hbm>>
    %dma_start3A_652 = arith.constant 0 : i32
    %dma_start3A_653 = arith.constant 0 : i32
    %dma_start3A_654 = tpu.memref_slice %arg6[%dma_start3A_639, %dma_start3A_652, %dma_start3A_653] : memref<4x200x64xf32, #tpu.memory_space<vmem>> -> memref<1x200x64xf32, #tpu.memory_space<vmem>>
    %dma_start3A_655 = tpu.memref_squeeze %dma_start3A_654 : memref<1x200x64xf32, #tpu.memory_space<vmem>> -> memref<200x64xf32, #tpu.memory_space<vmem>>
    tpu.enqueue_dma source(%dma_start3A_655 : memref<200x64xf32, #tpu.memory_space<vmem>>) target(%dma_start3A_651 : memref<200x64xf32, #tpu.memory_space<hbm>>) target_semaphore(%arg14 : memref<!tpu.dma_semaphore, #tpu.memory_space<semaphore_mem>>)
    %add3A_656 = arith.constant 126 : i32
    %add3A_657 = arith.addi %mul3A_2, %add3A_656 : i32
    %dma_wait3A_658 = arith.constant 2 : i32
    %dma_wait3A_659 = arith.constant 0 : i32
    %dma_wait3A_660 = arith.constant 0 : i32
    %dma_wait3A_661 = tpu.memref_slice %arg6[%dma_wait3A_658, %dma_wait3A_659, %dma_wait3A_660] : memref<4x200x64xf32, #tpu.memory_space<vmem>> -> memref<1x200x64xf32, #tpu.memory_space<vmem>>
    %dma_wait3A_662 = tpu.memref_squeeze %dma_wait3A_661 : memref<1x200x64xf32, #tpu.memory_space<vmem>> -> memref<200x64xf32, #tpu.memory_space<vmem>>
    %dma_wait3A_663 = arith.constant 0 : i32
    %dma_wait3A_664 = arith.constant 0 : i32
    %dma_wait3A_665 = tpu.memref_slice %arg4[%add3A_657, %dma_wait3A_663, %dma_wait3A_664] : memref<4096x200x64xf32, #tpu.memory_space<hbm>> -> memref<1x200x64xf32, #tpu.memory_space<hbm>>
    %dma_wait3A_666 = tpu.memref_squeeze %dma_wait3A_665 : memref<1x200x64xf32, #tpu.memory_space<hbm>> -> memref<200x64xf32, #tpu.memory_space<hbm>>
    %dma_wait3A_667 = arith.constant 0 : i32
    %dma_wait3A_668 = arith.constant 0 : i32
    %dma_wait3A_669 = tpu.memref_slice %arg4[%add3A_657, %dma_wait3A_667, %dma_wait3A_668] : memref<4096x200x64xf32, #tpu.memory_space<hbm>> -> memref<1x200x64xf32, #tpu.memory_space<hbm>>
    %dma_wait3A_670 = tpu.memref_squeeze %dma_wait3A_669 : memref<1x200x64xf32, #tpu.memory_space<hbm>> -> memref<200x64xf32, #tpu.memory_space<hbm>>
    %dma_wait3A_671 = arith.constant 0 : i32
    %dma_wait3A_672 = arith.constant 0 : i32
    %dma_wait3A_673 = tpu.memref_slice %arg6[%dma_wait3A_658, %dma_wait3A_671, %dma_wait3A_672] : memref<4x200x64xf32, #tpu.memory_space<vmem>> -> memref<1x200x64xf32, #tpu.memory_space<vmem>>
    %dma_wait3A_674 = tpu.memref_squeeze %dma_wait3A_673 : memref<1x200x64xf32, #tpu.memory_space<vmem>> -> memref<200x64xf32, #tpu.memory_space<vmem>>
    tpu.wait_dma2 semaphore(%arg13 : memref<!tpu.dma_semaphore, #tpu.memory_space<semaphore_mem>>) src(%dma_wait3A_674 : memref<200x64xf32, #tpu.memory_space<vmem>>) dst(%dma_wait3A_670 : memref<200x64xf32, #tpu.memory_space<hbm>>)
    %add3A_675 = arith.constant 127 : i32
    %add3A_676 = arith.addi %mul3A_2, %add3A_675 : i32
    %dma_wait3A_677 = arith.constant 3 : i32
    %dma_wait3A_678 = arith.constant 0 : i32
    %dma_wait3A_679 = arith.constant 0 : i32
    %dma_wait3A_680 = tpu.memref_slice %arg6[%dma_wait3A_677, %dma_wait3A_678, %dma_wait3A_679] : memref<4x200x64xf32, #tpu.memory_space<vmem>> -> memref<1x200x64xf32, #tpu.memory_space<vmem>>
    %dma_wait3A_681 = tpu.memref_squeeze %dma_wait3A_680 : memref<1x200x64xf32, #tpu.memory_space<vmem>> -> memref<200x64xf32, #tpu.memory_space<vmem>>
    %dma_wait3A_682 = arith.constant 0 : i32
    %dma_wait3A_683 = arith.constant 0 : i32
    %dma_wait3A_684 = tpu.memref_slice %arg4[%add3A_676, %dma_wait3A_682, %dma_wait3A_683] : memref<4096x200x64xf32, #tpu.memory_space<hbm>> -> memref<1x200x64xf32, #tpu.memory_space<hbm>>
    %dma_wait3A_685 = tpu.memref_squeeze %dma_wait3A_684 : memref<1x200x64xf32, #tpu.memory_space<hbm>> -> memref<200x64xf32, #tpu.memory_space<hbm>>
    %dma_wait3A_686 = arith.constant 0 : i32
    %dma_wait3A_687 = arith.constant 0 : i32
    %dma_wait3A_688 = tpu.memref_slice %arg4[%add3A_676, %dma_wait3A_686, %dma_wait3A_687] : memref<4096x200x64xf32, #tpu.memory_space<hbm>> -> memref<1x200x64xf32, #tpu.memory_space<hbm>>
    %dma_wait3A_689 = tpu.memref_squeeze %dma_wait3A_688 : memref<1x200x64xf32, #tpu.memory_space<hbm>> -> memref<200x64xf32, #tpu.memory_space<hbm>>
    %dma_wait3A_690 = arith.constant 0 : i32
    %dma_wait3A_691 = arith.constant 0 : i32
    %dma_wait3A_692 = tpu.memref_slice %arg6[%dma_wait3A_677, %dma_wait3A_690, %dma_wait3A_691] : memref<4x200x64xf32, #tpu.memory_space<vmem>> -> memref<1x200x64xf32, #tpu.memory_space<vmem>>
    %dma_wait3A_693 = tpu.memref_squeeze %dma_wait3A_692 : memref<1x200x64xf32, #tpu.memory_space<vmem>> -> memref<200x64xf32, #tpu.memory_space<vmem>>
    tpu.wait_dma2 semaphore(%arg14 : memref<!tpu.dma_semaphore, #tpu.memory_space<semaphore_mem>>) src(%dma_wait3A_693 : memref<200x64xf32, #tpu.memory_space<vmem>>) dst(%dma_wait3A_689 : memref<200x64xf32, #tpu.memory_space<hbm>>)
    return
  }
}

</mosaic_0001>

<sc_bundles>
// kernel: kernel.3.cloned.1.call-start
scs
__scs_entry_jumppad:
0x0: {  	(pc) =	sbr.rel $0x88, $3  }
0x1: {  	(tag) =	ssettag $0x0;
	lr =	simm.s32 $0x1  }
0x2: {  	[smem:$0x3F9F] =	sst lr;
	_ =	strace $0xD0000000  }
0x3: {  	_ = 	snop  }
0x4: {  	_ = 	snop  }
0x5: {  	_ = 	snop  }
0x6: {  	_ = 	snop  }
0x7: {  	_ = 	snop  }
__scs_overlays_trampoline_lowered:
0x8: {  	[smem:$0x3FAE] =	sst s0  }
0x9: {  	[smem:$0x3FAF] =	sst s1  }
0xa: {  	[smem:$0x3FB0] =	sst s2  }
0xb: {  	[smem:$0x3FB1] =	sst s3  }
0xc: {  	[smem:$0x3FB2] =	sst s4  }
0xd: {  	[smem:$0x3FB3] =	sst s5  }
0xe: {  	[smem:$0x3FB4] =	sst s6  }
0xf: {  	[smem:$0x3FB5] =	sst s7  }
0x10: {  	[smem:$0x3FB6] =	sst s8  }
0x11: {  	[smem:$0x3FB7] =	sst s9;
	s0 =	simm.s32 @!p0 $0x0  }
0x12: {  	s1 =	sld [smem:$0x3F9D];
	s0 =	simm.s32 @p0 $0x1  }
0x13: {  	[smem:$0x3FB8] =	sst s0;
	s0 =	simm.s32 @!p1 $0x0  }
0x14: {  	s2 =	sld [smem:$0x3F9C];
	s0 =	simm.s32 @p1 $0x1  }
0x15: {  	[smem:$0x3FB9] =	sst s0;
	s0 =	simm.s32 @!p2 $0x0  }
0x16: {  	s3 =	sld [smem:$0x3FDB];
	s0 =	simm.s32 @p2 $0x1  }
0x17: {  	s4 =	simm.s32 $0x1BF5;
	[smem:$0x3FBB] =	sst s0  }
0x18: {  	s0 =	sld [smem:$0x3F9E];
	_ =	swait.ge [sflag:s4], $0x0  }
0x19: {  	s7 =	sld [smem:$0x3F9F]  }
0x1a: {  	s8 =	sadd.s32 $0xFFFFE003, lr  }
0x1b: {  	s9 =	sadd.s32 $0xFFFFFEF7, lr;
	s5 =	simm.s32 $0xFFFFFFFF;
	p2 =	slt.u32 s8, $0xFFFFF086  }
0x1c: {  	p1 =	slt.u32 s9, $0xF7A;
	s5 =	simm.s32 @!p2 $0x0  }
0x1d: {  	s5 =	simm.s32 @p1 $0x1;
	p0 =	seq.s32 s7, s2  }
0x1e: {  	s7 =	smul.u32 @!p0 $0xF7A, s2;
	p2 =	seq.s32 @!p0 s5, $0x0  }
0x1f: {  	s9 =	smul.u32 $0xF7A, s1;
	s8 =	simm.s32 @!p0 $0x1BF5;
	p2 =	por !p2, p0  }
0x20: {  	[sflag:s8] =	ssyncset.s32 @!p0 $0xFFFFF086;
	s6 =	sadd.s32 @!p0 s3, s7;
	s7 =	simm.s32 @!p0 $0x108  }
0x21: {  	s3 =	sadd.s32 s3, s9;
	s6 =	sadd.s32 @!p0 $0x88, s6;
	s7 =	simm.s32 @p2 $0x1082  }
0x22: {  	[simem:s7], [sflag:s8] =	dma.local @!p0 [hbm:s6], $0xF7A  }
0x23: {  	s9 =	sor.u32 $0xD0000000, s2;
	s6 =	simm.s32 $0x108;
	_ =	swait.ge @!p0 [sflag:s8], $0x0  }
0x24: {  	s3 =	sadd.s32 $0x88, s3;
	s6 =	simm.s32 @!p1 $0x1082;
	[sflag:s4] =	ssyncset.s32 $0xFFFFF086  }
0x25: {  	[simem:s6], [sflag:s4] =	dma.local [hbm:s3], $0xF7A  }
0x26: {  	[smem:$0x3F9F] =	sst s1;
	(tag) =	ssettag s2;
	_ =	strace s9  }
0x27: {  	s1 =	sld [smem:$0x3FAF]  }
0x28: {  	s2 =	sld [smem:$0x3FB0]  }
0x29: {  	s4 =	sld [smem:$0x3FB2]  }
0x2a: {  	p0 =	seq.s32 s5, $0x0;
	s5 =	sld [smem:$0x3FB3]  }
0x2b: {  	s6 =	sld [smem:$0x3FB4]  }
0x2c: {  	s7 =	sld [smem:$0x3FB5]  }
0x2d: {  	s3 =	simm.s32 $0x108;
	s8 =	sld [smem:$0x3FB6]  }
0x2e: {  	s3 =	simm.s32 @!p0 $0x1082;
	s9 =	sld [smem:$0x3FB7]  }
0x2f: {  	lr =	sadd.s32 s0, s3;
	s0 =	sld [smem:$0x3FAE]  }
0x30: {  	s3 =	sld [smem:$0x3FB1]  }
0x31: {  	[smem:$0x3FBA] =	sst s10  }
0x32: {  	s10 =	sld [smem:$0x3FB8];
	_ =	sdelay $0x3  }
0x33: {  	p0 =	seq.s32 s10, $0x1;
	s10 =	sld [smem:$0x3FBA];
	_ =	sdelay $0x3  }
0x34: {  	[smem:$0x3FBA] =	sst s10  }
0x35: {  	s10 =	sld [smem:$0x3FB9];
	_ =	sdelay $0x3  }
0x36: {  	p1 =	seq.s32 s10, $0x1;
	s10 =	sld [smem:$0x3FBA];
	_ =	sdelay $0x3  }
0x37: {  	[smem:$0x3FBA] =	sst s10  }
0x38: {  	s10 =	sld [smem:$0x3FBB]  }
0x39: {  	_ = 	snop;
	(pc) =	sbr.ind lr, $3  }
0x3a: {  	_ = 	snop  }
0x3b: {  	_ = 	snop  }
0x3c: {  	p2 =	seq.s32 s10, $0x1;
	s10 =	sld [smem:$0x3FBA]  }
0x3d: {  	_ =	shalt  }
0x3e: {  	_ =	shalt  }
0x3f: {  	_ =	shalt  }
0x40: {  	_ =	shalt  }
0x41: {  	_ =	shalt  }
0x42: {  	_ =	shalt  }
0x43: {  	_ =	shalt  }
0x44: {  	_ =	shalt  }
0x45: {  	_ =	shalt  }
0x46: {  	_ =	shalt  }
0x47: {  	_ =	shalt  }
0x48: {  	_ =	shalt  }
0x49: {  	_ =	shalt  }
0x4a: {  	_ =	shalt  }
0x4b: {  	_ =	shalt  }
0x4c: {  	_ =	shalt  }
0x4d: {  	_ =	shalt  }
0x4e: {  	_ =	shalt  }
0x4f: {  	_ =	shalt  }
0x50: {  	_ =	shalt  }
0x51: {  	_ =	shalt  }
0x52: {  	_ =	shalt  }
0x53: {  	_ =	shalt  }
0x54: {  	_ =	shalt  }
0x55: {  	_ =	shalt  }
0x56: {  	_ =	shalt  }
0x57: {  	_ =	shalt  }
0x58: {  	_ =	shalt  }
0x59: {  	_ =	shalt  }
0x5a: {  	_ =	shalt  }
0x5b: {  	_ =	shalt  }
0x5c: {  	_ =	shalt  }
0x5d: {  	_ =	shalt  }
0x5e: {  	_ =	shalt  }
0x5f: {  	_ =	shalt  }
0x60: {  	_ =	shalt  }
0x61: {  	_ =	shalt  }
0x62: {  	_ =	shalt  }
0x63: {  	_ =	shalt  }
0x64: {  	_ =	shalt  }
0x65: {  	_ =	shalt  }
0x66: {  	_ =	shalt  }
0x67: {  	_ =	shalt  }
0x68: {  	_ =	shalt  }
0x69: {  	_ =	shalt  }
0x6a: {  	_ =	shalt  }
0x6b: {  	_ =	shalt  }
0x6c: {  	_ =	shalt  }
0x6d: {  	_ =	shalt  }
0x6e: {  	_ =	shalt  }
0x6f: {  	_ =	shalt  }
0x70: {  	_ =	shalt  }
0x71: {  	_ =	shalt  }
0x72: {  	_ =	shalt  }
0x73: {  	_ =	shalt  }
0x74: {  	_ =	shalt  }
0x75: {  	_ =	shalt  }
0x76: {  	_ =	shalt  }
0x77: {  	_ =	shalt  }
0x78: {  	_ =	shalt  }
0x79: {  	_ =	shalt  }
0x7a: {  	_ =	shalt  }
0x7b: {  	_ =	shalt  }
0x7c: {  	_ =	shalt  }
0x7d: {  	_ =	shalt  }
0x7e: {  	_ =	shalt  }
0x7f: {  	_ =	shalt  }
0x80: {  	_ =	shalt  }
0x81: {  	_ =	shalt  }
0x82: {  	_ =	shalt  }
0x83: {  	_ =	shalt  }
0x84: {  	_ =	shalt  }
0x85: {  	_ =	shalt  }
0x86: {  	_ =	shalt  }
0x87: {  	_ =	shalt  }
.Lfunc_end0:
.L_simem_size_0:
called_computation.1_lowered:
.L_overlay_start_0:
0x88: {  	s2 =	sld [smem:$0x3FD9]  }
0x89: {  	s3 =	sld [smem:$0x3FFE];
	_ =	sdelay $0x1  }
0x8a: {  	s1 =	srdreg.scid  }
0x8b: {  	s0 =	sand.u32 $0x1, s1  }
0x8c: {  	s17 =	sshll.u32 s0, $0xA;
	s2 =	sadd.s32 s3, s2  }
0x8d: {  	s2 =	sadd.s32 s2, s17  }
0x8e: {  	[smem:$0x3FC6] =	sst s2  }
0x8f: {  	_ = 	snop  }
0x90: {  	s2 =	sld [smem:$0x3FD0];
	(tm) =	ssettm $0x1  }
0x91: {  	s18 =	sld [smem:$0x3FFB];
	_ =	sdelay $0x3  }
0x92: {  	_ =	strace s18  }
0x93: {  	s3 =	sld [smem:$0x3FFC];
	_ =	sdelay $0x3  }
0x94: {  	_ =	strace s3  }
0x95: {  	s3 =	sld [smem:$0x3FFD];
	_ =	sdelay $0x3  }
0x96: {  	_ =	strace s3  }
0x97: {  	_ =	strace $0x8FFFFFFF  }
0x98: {  	s19 =	sld [smem:$0x3FDB];
	_ =	sdelay $0x1  }
0x99: {  	s4 =	simm.s32 $_scs_section_size  }
0x9a: {  	s5 =	simm.s32 $_size__tile_overlayer_lowered;
	s6 =	simm.s32 $_tile_overlayer_lowered  }
0x9b: {  	s22 =	simm.s32 $0x1BFF;
	s21 =	sshll.u32 s6, $0x1;
	s3 =	sadd.s32 s4, s19  }
0x9c: {  	s7 =	simm.s32 $0x0;
	s20 =	sshll.u32 s5, $0x1;
	s5 =	sadd.s32 s21, s3  }
0x9d: {  	[timem:s7], [sflag:s22] =	dma.local [hbm:s5], s20  }
0x9e: {  	_ =	swait.ge [sflag:s22], s20  }
0x9f: {  	s4 =	ssub.s32 $0x0, s20;
	[sflag:s22] =	ssyncset.done $0x0  }
0xa0: {  	[sflag:s22] =	ssyncadd.s32 s4;
	_ =	sdelay $0x1  }
0xa1: {  	s23 =	simm.s32 $0x1B8B  }
0xa2: {  	_ =	swait.ge [sflag:s23], $0x1  }
0xa3: {  	[sflag:s23] =	ssyncset.done $0x0  }
0xa4: {  	s25 =	simm.s32 $0x1B8E;
	s24 =	sld [smem:$0x3FFE];
	[sflag:s23] =	ssyncadd.s32 $0xFFFFFFFF  }
0xa5: {  	s26 =	simm.s32 $execute0_lowered;
	[smem:$0x3FD2] =	sst s25  }
0xa6: {  	s5 =	sshll.u32 s26, $0x1;
	_ =	strace $0x80000046;
	[dreg:$0x1] =	wrdreg $0xFFFFFFFF  }
0xa7: {  	s28 =	simm.s32 $_size_execute0_lowered;
	s3 =	sadd.s32 s3, s5;
	[dreg:$0x0] =	wrdreg $0x0  }
0xa8: {  	s5 =	sshll.u32 s28, $0x1;
	[dreg:$0x2] =	wrdreg s3  }
0xa9: {  	[dreg:$0x3] =	wrdreg s5  }
0xaa: {  	[dreg:$0x4] =	wrdreg $0xC0  }
0xab: {  	_ =	task [dreg:s7], $0x5FFFF  }
0xac: {  	[dreg:$0x1] =	wrdreg $0xFFFFFFFF  }
0xad: {  	[dreg:$0x0] =	wrdreg $0x60  }
0xae: {  	[dreg:$0x2] =	wrdreg s24  }
0xaf: {  	[dreg:$0x3] =	wrdreg s2  }
0xb0: {  	[dreg:$0x4] =	wrdreg $0x9  }
0xb1: {  	_ =	task.clear_ibuf [dreg:s7], $0x5FFFF;
	_ =	strace $0x90000046  }
0xb2: {  	s29 =	simm.s32 $0x9;
	_ =	strace $0x80000048  }
0xb3: {  	_ =	swait.ge [sflag:s29], $0x1  }
0xb4: {  	[sflag:s29] =	ssyncadd.s32 $0xFFFFFFFF  }
0xb5: {  	_ =	strace $0x90000048  }
0xb6: {  	_ =	sfence  }
0xb7: {  	s30 =	sld [smem:$0x0];
	_ =	sdelay $0x2  }
0xb8: {  	s31 =	sshll.u32 s1, $0xD;
	s1 =	sshrl.u32 s1, $0x2  }
0xb9: {  	s3 =	sand.u32 $0x4000, s31;
	s1 =	sadd.s32 s1, s30  }
0xba: {  	s0 =	sor.u32 s3, s0;
	s1 =	sshll.u32 s1, $0x11  }
0xbb: {  	s0 =	sor.u32 s1, s0  }
0xbc: {  	s0 =	sadd.s32 $0x8F2B, s0  }
0xbd: {  	[sflag:s0] =	ssyncadd.remote.s32 $0x1  }
0xbe: {  	_ =	sfence.sel $0xFFFF  }
0xbf: {  	[dreg:$0x0] =	wrdreg $0xFFFFFFFF;
	(pc) =	sbr.abs _section_cstart, $3  }
0xc0: {  	[dreg:$0x1] =	wrdreg $0xFFFFFFFF  }
0xc1: {  	_ =	task.clear_ibuf [dreg:s7], $0x2FFFF;
	_ =	strace $0x9FFFFFFF  }
0xc2: {  	(tm) =	ssettm $0x7FFFFFFF  }
0xc3: {  	_ =	shalt  }
tec
execute0_lowered:
.L_overlay_start_1:
0x0: {  	(tag) =	ssettag $0x1  }
0x1: {  	s0 =	srdreg.scid;
	s1 =	rddreg [dreg:$0x0]  }
0x2: {  	s9 =	stileid.u32;
	s5 =	rddreg [dreg:$0x1];
	s2 =	simm.s32 $0x0  }
0x3: {  	s15 =	simm.s32 $0x9;
	s16 =	simm.s32 $0x80;
	s17 =	simm.s32 $0x6400  }
0x4: {  	s18 =	simm.s32 $0x48;
	s19 =	simm.s32 $0x8400;
	s0 =	sand.u32 $0x1, s0  }
0x5: {  	s3 =	sshll.u32 s9, $0x8;
	s23 =	smul.u32 $0x64000, s9;
	s4 =	sshll.u32 s0, $0x7  }
0x6: {  	s20 =	ssub.s32 $0x2, s0;
	s0 =	smul.u32 $0x32000, s0;
	s6 =	sor.u32 s4, s3  }
0x7: {  	s28 =	simm.s32 $0xE800;
	s30 =	simm.s32 $0xFA00;
	s3 =	smul.u32 $0x19, s6  }
0x8: {  	s29 =	simm.s32 $0x3;
	[smem:$0x7FF] =	sst s2;
	s4 =	smul.u32 $0x640, s6  }
0x9: {  	s31 =	simm.s32 $0x6;
	_ =	strace $0x80000047;
	s6 =	smul.u32 $0x3200, s6  }
0xa: {  	s8 =	sshrl.u32 s20, $0x1;
	s7 =	sadd.s32 s3, s1;
	s3 =	sadd.s32 $0xF42E00, s1  }
0xb: {  	s4 =	sadd.s32 s5, s4;
	s1 =	ssub.s32 s20, s8;
	s6 =	sshrl.u32 s6, $0x3  }
0xc: {  	s20 =	simm.s32 $0x2;
	s7 =	sadd.s32 $0xA00, s7;
	s21 =	sadd.s32 $0x640, s4  }
0xd: {  	s22 =	sadd.s32 $0xC80, s4;
	s24 =	sadd.s32 $0x12C0, s4;
	[dreg:$0x3] =	wrdreg s7  }
0xe: {  	s6 =	sadd.s32 s5, s6;
	s5 =	sadd.s32 s23, s5;
	[dreg:$0x4] =	wrdreg s21  }
0xf: {  	s13 =	smax.u32 s1, $0x1;
	s23 =	simm.s32 $0xB600;
	[dreg:$0x5] =	wrdreg s22  }
0x10: {  	s1 =	simm.s32 $0x11A00;
	[dreg:$0x6] =	wrdreg s24;
	s25 =	sadd.s32 $0x30700, s6  }
0x11: {  	s26 =	sadd.s32 $0x30D40, s6;
	s11 =	sadd.s32 $0x31380, s6;
	s12 =	sadd.s32 $0x319C0, s6  }
0x12: {  	s0 =	sadd.s32 s0, s5;
	s21 =	simm.s32 $0x9600;
	s22 =	simm.s32 $0x5  }
0x13: {  	s24 =	simm.s32 $0x4;
	s5 =	simm.s32 $0x8;
	[dreg:$0x7] =	wrdreg s25  }
0x14: {  	s6 =	simm.s32 $0x0;
	[dreg:$0x8] =	wrdreg s26;
	s14 =	sadd.s32 $0x1900, s0  }
0x15: {  	s25 =	simm.s32 $0xC800;
	s0 =	simm.s32 $0x1;
	s26 =	simm.s32 $0x7  }
.LBB2_1:
0x16: {  	s7 =	rddreg [dreg:$0x3]  }
0x17: {  	[tilespmem:s2], [sflag:$0x9] =	stream.linear.gather [hbm4b:s7+s2], $0x6400, $0x38;
	[tilespmem:$0x12C00] =	vst v63  }
0x18: {  	_ =	swait.ge [sflag:s15], $0x6400  }
0x19: {  	[sflag:s15] =	ssyncset.done $0x0  }
0x1a: {  	[sflag:s15] =	ssyncadd.s32 $0xFFFF9C00  }
0x1b: {  	[tilespmem:s17], [sflag:$0x1] =	stream.indirect.gather [hbm4b:s3+s16], $0x40, s2, s16, $0xb8;
	[tilespmem:$0x12C00] =	vst v63  }
0x1c: {  	_ = 	snop  }
0x1d: {  	[tilespmem:s19], [sflag:$0x1] =	stream.indirect.gather [hbm4b:s3+s18], $0x40, s16, s18, $0xb8;
	[tilespmem:$0x12C00] =	vst v63  }
0x1e: {  	s10 =	simm.s32 $0xC8  }
0x1f: {  	[tilespmem:s21], [sflag:$0x2] =	stream.indirect.gather [hbm4b:s3+s16], $0x40, s10, s16, $0xb8;
	[tilespmem:$0x12C00] =	vst v63  }
0x20: {  	s8 =	simm.s32 $0x148  }
0x21: {  	[tilespmem:s23], [sflag:$0x2] =	stream.indirect.gather [hbm4b:s3+s18], $0x40, s8, s18, $0xb8;
	[tilespmem:$0x12C00] =	vst v63  }
0x22: {  	s9 =	simm.s32 $0x190  }
0x23: {  	[tilespmem:s25], [sflag:$0x3] =	stream.indirect.gather [hbm4b:s3+s16], $0x40, s9, s16, $0xb8;
	[tilespmem:$0x12C00] =	vst v63  }
0x24: {  	s10 =	simm.s32 $0x210  }
0x25: {  	[tilespmem:s28], [sflag:$0x3] =	stream.indirect.gather [hbm4b:s3+s18], $0x40, s10, s18, $0xb8;
	[tilespmem:$0x12C00] =	vst v63  }
0x26: {  	s8 =	simm.s32 $0x258  }
0x27: {  	[tilespmem:s30], [sflag:$0x4] =	stream.indirect.gather [hbm4b:s3+s16], $0x40, s8, s16, $0xb8;
	[tilespmem:$0x12C00] =	vst v63  }
0x28: {  	s9 =	simm.s32 $0x2D8  }
0x29: {  	[tilespmem:s1], [sflag:$0x4] =	stream.indirect.gather [hbm4b:s3+s18], $0x40, s9, s18, $0xb8;
	[tilespmem:$0x12C00] =	vst v63  }
0x2a: {  	_ =	swait.ge [sflag:s0], $0x2000  }
0x2b: {  	[sflag:s0] =	ssyncset.done $0x0  }
0x2c: {  	[sflag:s0] =	ssyncadd.s32 $0xFFFFE000  }
0x2d: {  	_ =	swait.ge [sflag:s0], $0x1200  }
0x2e: {  	[sflag:s0] =	ssyncset.done $0x0  }
0x2f: {  	[sflag:s0] =	ssyncadd.s32 $0xFFFFEE00  }
0x30: {  	[hbm4b:s4+s2] =	stream.linear.scatter [tilespmem:s17], [sflag:$0x5], $0x3200, $0x38;
	[tilespmem:$0x12C00] =	vst v63  }
0x31: {  	_ =	swait.ge [sflag:s20], $0x2000  }
0x32: {  	[sflag:s20] =	ssyncset.done $0x0  }
0x33: {  	[sflag:s20] =	ssyncadd.s32 $0xFFFFE000  }
0x34: {  	_ =	swait.ge [sflag:s20], $0x1200  }
0x35: {  	[sflag:s20] =	ssyncset.done $0x0  }
0x36: {  	s10 =	rddreg [dreg:$0x4];
	[sflag:s20] =	ssyncadd.s32 $0xFFFFEE00  }
0x37: {  	[hbm4b:s10+s2] =	stream.linear.scatter [tilespmem:s21], [sflag:$0x6], $0x3200, $0x38;
	[tilespmem:$0x12C00] =	vst v63  }
0x38: {  	_ =	swait.ge [sflag:s22], $0x3200  }
0x39: {  	[sflag:s22] =	ssyncset.done $0x0  }
0x3a: {  	s8 =	simm.s32 $0x320;
	[sflag:s22] =	ssyncadd.s32 $0xFFFFCE00  }
0x3b: {  	[tilespmem:s17], [sflag:$0x1] =	stream.indirect.gather [hbm4b:s3+s16], $0x40, s8, s16, $0xb8;
	[tilespmem:$0x12C00] =	vst v63  }
0x3c: {  	s9 =	simm.s32 $0x3A0  }
0x3d: {  	[tilespmem:s19], [sflag:$0x1] =	stream.indirect.gather [hbm4b:s3+s18], $0x40, s9, s18, $0xb8;
	[tilespmem:$0x12C00] =	vst v63  }
0x3e: {  	_ =	swait.ge [sflag:s29], $0x2000  }
0x3f: {  	[sflag:s29] =	ssyncset.done $0x0  }
0x40: {  	[sflag:s29] =	ssyncadd.s32 $0xFFFFE000  }
0x41: {  	_ =	swait.ge [sflag:s29], $0x1200  }
0x42: {  	[sflag:s29] =	ssyncset.done $0x0  }
0x43: {  	s10 =	rddreg [dreg:$0x5];
	[sflag:s29] =	ssyncadd.s32 $0xFFFFEE00  }
0x44: {  	[hbm4b:s10+s2] =	stream.linear.scatter [tilespmem:s25], [sflag:$0x7], $0x3200, $0x38;
	[tilespmem:$0x12C00] =	vst v63  }
0x45: {  	_ =	swait.ge [sflag:s31], $0x3200  }
0x46: {  	[sflag:s31] =	ssyncset.done $0x0  }
0x47: {  	s8 =	simm.s32 $0x3E8;
	[sflag:s31] =	ssyncadd.s32 $0xFFFFCE00  }
0x48: {  	[tilespmem:s21], [sflag:$0x2] =	stream.indirect.gather [hbm4b:s3+s16], $0x40, s8, s16, $0xb8;
	[tilespmem:$0x12C00] =	vst v63  }
0x49: {  	s9 =	simm.s32 $0x468  }
0x4a: {  	[tilespmem:s23], [sflag:$0x2] =	stream.indirect.gather [hbm4b:s3+s18], $0x40, s9, s18, $0xb8;
	[tilespmem:$0x12C00] =	vst v63  }
0x4b: {  	_ =	swait.ge [sflag:s24], $0x2000  }
0x4c: {  	[sflag:s24] =	ssyncset.done $0x0  }
0x4d: {  	[sflag:s24] =	ssyncadd.s32 $0xFFFFE000  }
0x4e: {  	_ =	swait.ge [sflag:s24], $0x1200  }
0x4f: {  	[sflag:s24] =	ssyncset.done $0x0  }
0x50: {  	s10 =	rddreg [dreg:$0x6];
	[sflag:s24] =	ssyncadd.s32 $0xFFFFEE00  }
0x51: {  	[hbm4b:s10+s2] =	stream.linear.scatter [tilespmem:s30], [sflag:$0x8], $0x3200, $0x38;
	[tilespmem:$0x12C00] =	vst v63  }
0x52: {  	_ =	swait.ge [sflag:s26], $0x3200  }
0x53: {  	[sflag:s26] =	ssyncset.done $0x0  }
0x54: {  	s8 =	simm.s32 $0x4B0;
	[sflag:s26] =	ssyncadd.s32 $0xFFFFCE00  }
0x55: {  	[tilespmem:s25], [sflag:$0x3] =	stream.indirect.gather [hbm4b:s3+s16], $0x40, s8, s16, $0xb8;
	[tilespmem:$0x12C00] =	vst v63  }
0x56: {  	s9 =	simm.s32 $0x530  }
0x57: {  	[tilespmem:s28], [sflag:$0x3] =	stream.indirect.gather [hbm4b:s3+s18], $0x40, s9, s18, $0xb8;
	[tilespmem:$0x12C00] =	vst v63  }
0x58: {  	_ =	swait.ge [sflag:s0], $0x2000  }
0x59: {  	[sflag:s0] =	ssyncset.done $0x0  }
0x5a: {  	[sflag:s0] =	ssyncadd.s32 $0xFFFFE000  }
0x5b: {  	_ =	swait.ge [sflag:s0], $0x1200  }
0x5c: {  	[sflag:s0] =	ssyncset.done $0x0  }
0x5d: {  	[sflag:s0] =	ssyncadd.s32 $0xFFFFEE00  }
0x5e: {  	[hbm4b:s14+s2] =	stream.linear.scatter [tilespmem:s17], [sflag:$0x5], $0x3200, $0x38;
	[tilespmem:$0x12C00] =	vst v63  }
0x5f: {  	_ =	swait.ge [sflag:s5], $0x3200  }
0x60: {  	[sflag:s5] =	ssyncset.done $0x0  }
0x61: {  	s10 =	simm.s32 $0x578;
	[sflag:s5] =	ssyncadd.s32 $0xFFFFCE00  }
0x62: {  	[tilespmem:s30], [sflag:$0x4] =	stream.indirect.gather [hbm4b:s3+s16], $0x40, s10, s16, $0xb8;
	[tilespmem:$0x12C00] =	vst v63  }
0x63: {  	s8 =	simm.s32 $0x5F8  }
0x64: {  	[tilespmem:s1], [sflag:$0x4] =	stream.indirect.gather [hbm4b:s3+s18], $0x40, s8, s18, $0xb8;
	[tilespmem:$0x12C00] =	vst v63  }
0x65: {  	_ =	swait.ge [sflag:s20], $0x2000  }
0x66: {  	[sflag:s20] =	ssyncset.done $0x0  }
0x67: {  	[sflag:s20] =	ssyncadd.s32 $0xFFFFE000  }
0x68: {  	_ =	swait.ge [sflag:s20], $0x1200  }
0x69: {  	[sflag:s20] =	ssyncset.done $0x0  }
0x6a: {  	s9 =	sadd.s32 $0x640, s14;
	[sflag:s20] =	ssyncadd.s32 $0xFFFFEE00  }
0x6b: {  	[hbm4b:s9+s2] =	stream.linear.scatter [tilespmem:s21], [sflag:$0x6], $0x3200, $0x38;
	[tilespmem:$0x12C00] =	vst v63  }
0x6c: {  	_ =	swait.ge [sflag:s22], $0x3200  }
0x6d: {  	[sflag:s22] =	ssyncset.done $0x0  }
0x6e: {  	s10 =	simm.s32 $0x640;
	[sflag:s22] =	ssyncadd.s32 $0xFFFFCE00  }
0x6f: {  	[tilespmem:s17], [sflag:$0x1] =	stream.indirect.gather [hbm4b:s3+s16], $0x40, s10, s16, $0xb8;
	[tilespmem:$0x12C00] =	vst v63  }
0x70: {  	s8 =	simm.s32 $0x6C0  }
0x71: {  	[tilespmem:s19], [sflag:$0x1] =	stream.indirect.gather [hbm4b:s3+s18], $0x40, s8, s18, $0xb8;
	[tilespmem:$0x12C00] =	vst v63  }
0x72: {  	_ =	swait.ge [sflag:s29], $0x2000  }
0x73: {  	[sflag:s29] =	ssyncset.done $0x0  }
0x74: {  	[sflag:s29] =	ssyncadd.s32 $0xFFFFE000  }
0x75: {  	_ =	swait.ge [sflag:s29], $0x1200  }
0x76: {  	[sflag:s29] =	ssyncset.done $0x0  }
0x77: {  	s9 =	sadd.s32 $0xC80, s14;
	[sflag:s29] =	ssyncadd.s32 $0xFFFFEE00  }
0x78: {  	[hbm4b:s9+s2] =	stream.linear.scatter [tilespmem:s25], [sflag:$0x7], $0x3200, $0x38;
	[tilespmem:$0x12C00] =	vst v63  }
0x79: {  	_ =	swait.ge [sflag:s31], $0x3200  }
0x7a: {  	[sflag:s31] =	ssyncset.done $0x0  }
0x7b: {  	s10 =	simm.s32 $0x708;
	[sflag:s31] =	ssyncadd.s32 $0xFFFFCE00  }
0x7c: {  	[tilespmem:s21], [sflag:$0x2] =	stream.indirect.gather [hbm4b:s3+s16], $0x40, s10, s16, $0xb8;
	[tilespmem:$0x12C00] =	vst v63  }
0x7d: {  	s8 =	simm.s32 $0x788  }
0x7e: {  	[tilespmem:s23], [sflag:$0x2] =	stream.indirect.gather [hbm4b:s3+s18], $0x40, s8, s18, $0xb8;
	[tilespmem:$0x12C00] =	vst v63  }
0x7f: {  	_ =	swait.ge [sflag:s24], $0x2000  }
0x80: {  	[sflag:s24] =	ssyncset.done $0x0  }
0x81: {  	[sflag:s24] =	ssyncadd.s32 $0xFFFFE000  }
0x82: {  	_ =	swait.ge [sflag:s24], $0x1200  }
0x83: {  	[sflag:s24] =	ssyncset.done $0x0  }
0x84: {  	s9 =	sadd.s32 $0x12C0, s14;
	[sflag:s24] =	ssyncadd.s32 $0xFFFFEE00  }
0x85: {  	[hbm4b:s9+s2] =	stream.linear.scatter [tilespmem:s30], [sflag:$0x8], $0x3200, $0x38;
	[tilespmem:$0x12C00] =	vst v63  }
0x86: {  	_ =	swait.ge [sflag:s26], $0x3200  }
0x87: {  	s7 =	simm.s32 $0xC80;
	s10 =	simm.s32 $0x7D0;
	[sflag:s26] =	ssyncset.done $0x0  }
0x88: {  	s8 =	sadd.s32 $0x1900, s14;
	s9 =	simm.s32 $0x850;
	[sflag:s26] =	ssyncadd.s32 $0xFFFFCE00  }
0x89: {  	[tilespmem:s25], [sflag:$0x3] =	stream.indirect.gather [hbm4b:s3+s16], $0x40, s10, s16, $0xb8;
	[tilespmem:$0x12C00] =	vst v63  }
.LBB2_2:
0x8a: {  	[tilespmem:s28], [sflag:$0x3] =	stream.indirect.gather [hbm4b:s3+s18], $0x40, s9, s18, $0xb8;
	[tilespmem:$0x12C00] =	vst v63  }
0x8b: {  	s9 =	smov.u32 s7  }
0x8c: {  	p0 =	sne.s32 s7, $0x16A80;
	s7 =	sadd.s32 $0xC80, s7;
	_ =	swait.ge [sflag:s0], $0x2000  }
0x8d: {  	[sflag:s0] =	ssyncset.done $0x0  }
0x8e: {  	[sflag:s0] =	ssyncadd.s32 $0xFFFFE000  }
0x8f: {  	_ =	swait.ge [sflag:s0], $0x1200  }
0x90: {  	[sflag:s0] =	ssyncset.done $0x0  }
0x91: {  	[sflag:s0] =	ssyncadd.s32 $0xFFFFEE00  }
0x92: {  	[hbm4b:s8+s2] =	stream.linear.scatter [tilespmem:s17], [sflag:$0x5], $0x3200, $0x38;
	[tilespmem:$0x12C00] =	vst v63  }
0x93: {  	_ =	swait.ge [sflag:s5], $0x3200  }
0x94: {  	s9 =	sshra.s32 s9, $0x2;
	[sflag:s5] =	ssyncset.done $0x0  }
0x95: {  	s10 =	sadd.s32 $0x578, s9;
	[sflag:s5] =	ssyncadd.s32 $0xFFFFCE00  }
0x96: {  	[tilespmem:s30], [sflag:$0x4] =	stream.indirect.gather [hbm4b:s3+s16], $0x40, s10, s16, $0xb8;
	[tilespmem:$0x12C00] =	vst v63  }
0x97: {  	s10 =	sadd.s32 $0x5F8, s9  }
0x98: {  	[tilespmem:s1], [sflag:$0x4] =	stream.indirect.gather [hbm4b:s3+s18], $0x40, s10, s18, $0xb8;
	[tilespmem:$0x12C00] =	vst v63  }
0x99: {  	_ =	swait.ge [sflag:s20], $0x2000  }
0x9a: {  	[sflag:s20] =	ssyncset.done $0x0  }
0x9b: {  	[sflag:s20] =	ssyncadd.s32 $0xFFFFE000  }
0x9c: {  	_ =	swait.ge [sflag:s20], $0x1200  }
0x9d: {  	[sflag:s20] =	ssyncset.done $0x0  }
0x9e: {  	s10 =	sadd.s32 $0x640, s8;
	[sflag:s20] =	ssyncadd.s32 $0xFFFFEE00  }
0x9f: {  	[hbm4b:s10+s2] =	stream.linear.scatter [tilespmem:s21], [sflag:$0x6], $0x3200, $0x38;
	[tilespmem:$0x12C00] =	vst v63  }
0xa0: {  	_ =	swait.ge [sflag:s22], $0x3200  }
0xa1: {  	[sflag:s22] =	ssyncset.done $0x0  }
0xa2: {  	s10 =	sadd.s32 $0x640, s9;
	[sflag:s22] =	ssyncadd.s32 $0xFFFFCE00  }
0xa3: {  	[tilespmem:s17], [sflag:$0x1] =	stream.indirect.gather [hbm4b:s3+s16], $0x40, s10, s16, $0xb8;
	[tilespmem:$0x12C00] =	vst v63  }
0xa4: {  	s10 =	sadd.s32 $0x6C0, s9  }
0xa5: {  	[tilespmem:s19], [sflag:$0x1] =	stream.indirect.gather [hbm4b:s3+s18], $0x40, s10, s18, $0xb8;
	[tilespmem:$0x12C00] =	vst v63  }
0xa6: {  	_ =	swait.ge [sflag:s29], $0x2000  }
0xa7: {  	[sflag:s29] =	ssyncset.done $0x0  }
0xa8: {  	[sflag:s29] =	ssyncadd.s32 $0xFFFFE000  }
0xa9: {  	_ =	swait.ge [sflag:s29], $0x1200  }
0xaa: {  	[sflag:s29] =	ssyncset.done $0x0  }
0xab: {  	s10 =	sadd.s32 $0xC80, s8;
	[sflag:s29] =	ssyncadd.s32 $0xFFFFEE00  }
0xac: {  	[hbm4b:s10+s2] =	stream.linear.scatter [tilespmem:s25], [sflag:$0x7], $0x3200, $0x38;
	[tilespmem:$0x12C00] =	vst v63  }
0xad: {  	_ =	swait.ge [sflag:s31], $0x3200  }
0xae: {  	[sflag:s31] =	ssyncset.done $0x0  }
0xaf: {  	s10 =	sadd.s32 $0x708, s9;
	[sflag:s31] =	ssyncadd.s32 $0xFFFFCE00  }
0xb0: {  	[tilespmem:s21], [sflag:$0x2] =	stream.indirect.gather [hbm4b:s3+s16], $0x40, s10, s16, $0xb8;
	[tilespmem:$0x12C00] =	vst v63  }
0xb1: {  	s10 =	sadd.s32 $0x788, s9  }
0xb2: {  	[tilespmem:s23], [sflag:$0x2] =	stream.indirect.gather [hbm4b:s3+s18], $0x40, s10, s18, $0xb8;
	[tilespmem:$0x12C00] =	vst v63  }
0xb3: {  	_ =	swait.ge [sflag:s24], $0x2000  }
0xb4: {  	[sflag:s24] =	ssyncset.done $0x0  }
0xb5: {  	[sflag:s24] =	ssyncadd.s32 $0xFFFFE000  }
0xb6: {  	_ =	swait.ge [sflag:s24], $0x1200  }
0xb7: {  	[sflag:s24] =	ssyncset.done $0x0  }
0xb8: {  	s10 =	sadd.s32 $0x12C0, s8;
	[sflag:s24] =	ssyncadd.s32 $0xFFFFEE00  }
0xb9: {  	[hbm4b:s10+s2] =	stream.linear.scatter [tilespmem:s30], [sflag:$0x8], $0x3200, $0x38;
	[tilespmem:$0x12C00] =	vst v63  }
.Ltmp0:
0xba: {  	_ =	swait.ge [sflag:s26], $0x3200;
	(pc) =	sbr.rel @p0 .LBB2_2-.Ltmp0, $4  }
0xbb: {  	[sflag:s26] =	ssyncset.done $0x0  }
0xbc: {  	s10 =	sadd.s32 $0x7D0, s9;
	[sflag:s26] =	ssyncadd.s32 $0xFFFFCE00  }
0xbd: {  	[tilespmem:s25], [sflag:$0x3] =	stream.indirect.gather [hbm4b:s3+s16], $0x40, s10, s16, $0xb8;
	[tilespmem:$0x12C00] =	vst v63  }
0xbe: {  	s8 =	sadd.s32 $0x1900, s8;
	s9 =	sadd.s32 $0x850, s9  }
0xbf: {  	[tilespmem:s28], [sflag:$0x3] =	stream.indirect.gather [hbm4b:s3+s18], $0x40, s9, s18, $0xb8;
	[tilespmem:$0x12C00] =	vst v63  }
0xc0: {  	_ =	swait.ge [sflag:s0], $0x2000  }
0xc1: {  	[sflag:s0] =	ssyncset.done $0x0  }
0xc2: {  	[sflag:s0] =	ssyncadd.s32 $0xFFFFE000  }
0xc3: {  	_ =	swait.ge [sflag:s0], $0x1200  }
0xc4: {  	[sflag:s0] =	ssyncset.done $0x0  }
0xc5: {  	s7 =	rddreg [dreg:$0x7];
	[sflag:s0] =	ssyncadd.s32 $0xFFFFEE00  }
0xc6: {  	[hbm4b:s7+s2] =	stream.linear.scatter [tilespmem:s17], [sflag:$0x5], $0x3200, $0x38;
	[tilespmem:$0x12C00] =	vst v63  }
0xc7: {  	_ =	swait.ge [sflag:s5], $0x3200  }
0xc8: {  	[sflag:s5] =	ssyncset.done $0x0  }
0xc9: {  	s8 =	simm.s32 $0x6338;
	[sflag:s5] =	ssyncadd.s32 $0xFFFFCE00  }
0xca: {  	[tilespmem:s30], [sflag:$0x4] =	stream.indirect.gather [hbm4b:s3+s16], $0x40, s8, s16, $0xb8;
	[tilespmem:$0x12C00] =	vst v63  }
0xcb: {  	s9 =	simm.s32 $0x63B8  }
0xcc: {  	[tilespmem:s1], [sflag:$0x4] =	stream.indirect.gather [hbm4b:s3+s18], $0x40, s9, s18, $0xb8;
	[tilespmem:$0x12C00] =	vst v63  }
0xcd: {  	_ =	swait.ge [sflag:s20], $0x2000  }
0xce: {  	[sflag:s20] =	ssyncset.done $0x0  }
0xcf: {  	[sflag:s20] =	ssyncadd.s32 $0xFFFFE000  }
0xd0: {  	_ =	swait.ge [sflag:s20], $0x1200  }
0xd1: {  	[sflag:s20] =	ssyncset.done $0x0  }
0xd2: {  	s10 =	rddreg [dreg:$0x8];
	[sflag:s20] =	ssyncadd.s32 $0xFFFFEE00  }
0xd3: {  	[hbm4b:s10+s2] =	stream.linear.scatter [tilespmem:s21], [sflag:$0x6], $0x3200, $0x38;
	[tilespmem:$0x12C00] =	vst v63  }
0xd4: {  	_ =	swait.ge [sflag:s22], $0x3200  }
0xd5: {  	[sflag:s22] =	ssyncset.done $0x0  }
0xd6: {  	[sflag:s22] =	ssyncadd.s32 $0xFFFFCE00  }
0xd7: {  	_ =	swait.ge [sflag:s29], $0x2000  }
0xd8: {  	[sflag:s29] =	ssyncset.done $0x0  }
0xd9: {  	[sflag:s29] =	ssyncadd.s32 $0xFFFFE000  }
0xda: {  	_ =	swait.ge [sflag:s29], $0x1200  }
0xdb: {  	[sflag:s29] =	ssyncset.done $0x0  }
0xdc: {  	[sflag:s29] =	ssyncadd.s32 $0xFFFFEE00  }
0xdd: {  	[hbm4b:s11+s2] =	stream.linear.scatter [tilespmem:s25], [sflag:$0x7], $0x3200, $0x38;
	[tilespmem:$0x12C00] =	vst v63  }
0xde: {  	_ =	swait.ge [sflag:s31], $0x3200  }
0xdf: {  	[sflag:s31] =	ssyncset.done $0x0  }
0xe0: {  	[sflag:s31] =	ssyncadd.s32 $0xFFFFCE00  }
0xe1: {  	_ =	swait.ge [sflag:s24], $0x2000  }
0xe2: {  	[sflag:s24] =	ssyncset.done $0x0  }
0xe3: {  	[sflag:s24] =	ssyncadd.s32 $0xFFFFE000  }
0xe4: {  	_ =	swait.ge [sflag:s24], $0x1200  }
0xe5: {  	[sflag:s24] =	ssyncset.done $0x0  }
0xe6: {  	s6 =	sadd.s32 $0x1, s6;
	[sflag:s24] =	ssyncadd.s32 $0xFFFFEE00  }
0xe7: {  	[hbm4b:s12+s2] =	stream.linear.scatter [tilespmem:s30], [sflag:$0x8], $0x3200, $0x38;
	[tilespmem:$0x12C00] =	vst v63  }
0xe8: {  	p0 =	sne.s32 s6, s13;
	_ =	swait.ge [sflag:s26], $0x3200  }
.Ltmp1:
0xe9: {  	[sflag:s26] =	ssyncset.done $0x0;
	(pc) =	sbr.rel @p0 .LBB2_1-.Ltmp1, $4  }
0xea: {  	[sflag:s26] =	ssyncadd.s32 $0xFFFFCE00  }
0xeb: {  	_ =	swait.ge [sflag:s5], $0x3200  }
0xec: {  	[sflag:s5] =	ssyncset.done $0x0  }
0xed: {  	[sflag:s5] =	ssyncadd.s32 $0xFFFFCE00  }
0xee: {  	_ =	sfence.sel $0x180000  }
0xef: {  	[bflag:$0x0] =	sbarrier.arrive $0xFFFF  }
0xf0: {  	_ =	strace $0x90000047  }
0xf1: {  	s0 =	stileid.u32;
	[bflag:$0x2] =	sbarrier.arrive $0xFFFF  }
0xf2: {  	p0 =	sne.s32 s0, $0x0;
	s0 =	rddreg [dreg:$0x2]  }
0xf3: {  	s0 =	sadd.s32 @!p0 $0x100000, s0  }
0xf4: {  	[sflag:s0] =	ssyncadd.tile.s32 @!p0 $0x1;
	_ =	shalt  }
.Lfunc_end2:
_tile_overlayer_lowered:
.L_overlay_start_2:
0xf5: {  	(tag) =	ssettag $0x2  }
0xf6: {  	s0 =	rddreg [dreg:$0x0];
	s2 =	stileid.u32  }
0xf7: {  	s1 =	rddreg [dreg:$0x1];
	p0 =	sne.s32 s2, $0x0  }
0xf8: {  	s3 =	rddreg [dreg:$0x2];
	[bflag:$0x3] =	sbarrier.arrive $0xFFFF;
	s2 =	simm.s32 @!p0 $0x1C09  }
0xf9: {  	[timem:s3], [sflag:s2] =	dma.local @!p0 [hbm:s0], s1  }
0xfa: {  	s0 =	simm.s32 @!p0 $0x9  }
0xfb: {  	_ =	swait.ge @!p0 [sflag:s0], s1  }
0xfc: {  	s1 =	ssub.s32 @!p0 $0x0, s1;
	[sflag:s0] =	ssyncset.done @!p0 $0x0  }
0xfd: {  	[sflag:s0] =	ssyncadd.s32 @!p0 s1  }
0xfe: {  	[bflag:$0x3] =	sbarrier.arrive $0xFFFF  }
0xff: {  	_ =	shalt  }

// kernel: sparse-core-data-format-call.cloned.1.call-start
scs
called_computation_lowered:
.L_overlay_start_0:
0x0: {  	s2 =	sld [smem:$0x3FD9]  }
0x1: {  	s3 =	sld [smem:$0x3FFE];
	_ =	sdelay $0x1  }
0x2: {  	s1 =	srdreg.scid  }
0x3: {  	s0 =	sand.u32 $0x1, s1  }
0x4: {  	s18 =	sshll.u32 s0, $0xA;
	s2 =	sadd.s32 s3, s2  }
0x5: {  	s2 =	sadd.s32 s2, s18  }
0x6: {  	[smem:$0x3FC6] =	sst s2  }
0x7: {  	_ = 	snop  }
0x8: {  	s2 =	sld [smem:$0x3FD0];
	(tm) =	ssettm $0x1  }
0x9: {  	s19 =	sld [smem:$0x3FFB];
	_ =	sdelay $0x3  }
0xa: {  	_ =	strace s19  }
0xb: {  	s3 =	sld [smem:$0x3FFC];
	_ =	sdelay $0x3  }
0xc: {  	_ =	strace s3  }
0xd: {  	s3 =	sld [smem:$0x3FFD];
	_ =	sdelay $0x3  }
0xe: {  	_ =	strace s3  }
0xf: {  	_ =	strace $0x8FFFFFFF  }
0x10: {  	s20 =	sld [smem:$0x3FDB];
	_ =	sdelay $0x1  }
0x11: {  	s4 =	simm.s32 $_scs_section_size  }
0x12: {  	s5 =	simm.s32 $_size__tile_overlayer_lowered;
	s6 =	simm.s32 $_tile_overlayer_lowered  }
0x13: {  	s23 =	simm.s32 $0x1BFF;
	s22 =	sshll.u32 s6, $0x1;
	s3 =	sadd.s32 s4, s20  }
0x14: {  	s7 =	simm.s32 $0x0;
	s21 =	sshll.u32 s5, $0x1;
	s5 =	sadd.s32 s22, s3  }
0x15: {  	[timem:s7], [sflag:s23] =	dma.local [hbm:s5], s21  }
0x16: {  	_ =	swait.ge [sflag:s23], s21  }
0x17: {  	s4 =	ssub.s32 $0x0, s21;
	[sflag:s23] =	ssyncset.done $0x0  }
0x18: {  	[sflag:s23] =	ssyncadd.s32 s4;
	_ =	sdelay $0x1  }
0x19: {  	s24 =	simm.s32 $0x1B8B  }
0x1a: {  	_ =	swait.ge [sflag:s24], $0x1  }
0x1b: {  	[sflag:s24] =	ssyncset.done $0x0  }
0x1c: {  	s26 =	simm.s32 $0x1B8E;
	s25 =	sld [smem:$0x3FFE];
	[sflag:s24] =	ssyncadd.s32 $0xFFFFFFFF  }
0x1d: {  	s27 =	simm.s32 $execute0_lowered;
	[smem:$0x3FD2] =	sst s26  }
0x1e: {  	s5 =	sshll.u32 s27, $0x1;
	_ =	strace $0x80000049;
	[dreg:$0x1] =	wrdreg $0xFFFFFFFF  }
0x1f: {  	s28 =	simm.s32 $_size_execute0_lowered;
	s3 =	sadd.s32 s3, s5;
	[dreg:$0x0] =	wrdreg $0x0  }
0x20: {  	s5 =	sshll.u32 s28, $0x1;
	[dreg:$0x2] =	wrdreg s3  }
0x21: {  	[dreg:$0x3] =	wrdreg s5  }
0x22: {  	[dreg:$0x4] =	wrdreg $0xC0  }
0x23: {  	_ =	task [dreg:s7], $0x5FFFF  }
0x24: {  	[dreg:$0x1] =	wrdreg $0xFFFFFFFF  }
0x25: {  	[dreg:$0x0] =	wrdreg $0x60  }
0x26: {  	[dreg:$0x2] =	wrdreg s25  }
0x27: {  	[dreg:$0x3] =	wrdreg s2  }
0x28: {  	[dreg:$0x4] =	wrdreg $0x9  }
0x29: {  	_ =	task.clear_ibuf [dreg:s7], $0x5FFFF;
	_ =	strace $0x90000049  }
0x2a: {  	s29 =	simm.s32 $0x9;
	_ =	strace $0x8000004B  }
0x2b: {  	_ =	swait.ge [sflag:s29], $0x1  }
0x2c: {  	[sflag:s29] =	ssyncadd.s32 $0xFFFFFFFF  }
0x2d: {  	_ =	strace $0x9000004B  }
0x2e: {  	_ =	sfence  }
0x2f: {  	s30 =	sld [smem:$0x0];
	_ =	sdelay $0x2  }
0x30: {  	s31 =	sshll.u32 s1, $0xD;
	s1 =	sshrl.u32 s1, $0x2  }
0x31: {  	s3 =	sand.u32 $0x4000, s31;
	s1 =	sadd.s32 s1, s30  }
0x32: {  	s0 =	sor.u32 s3, s0;
	s1 =	sshll.u32 s1, $0x11  }
0x33: {  	s0 =	sor.u32 s1, s0  }
0x34: {  	s0 =	sadd.s32 $0x8F2B, s0  }
0x35: {  	[sflag:s0] =	ssyncadd.remote.s32 $0x1  }
0x36: {  	_ =	sfence.sel $0xFFFF  }
0x37: {  	[dreg:$0x0] =	wrdreg $0xFFFFFFFF;
	(pc) =	sbr.abs _section_cstart, $3  }
0x38: {  	[dreg:$0x1] =	wrdreg $0xFFFFFFFF  }
0x39: {  	_ =	task.clear_ibuf [dreg:s7], $0x2FFFF;
	_ =	strace $0x9FFFFFFF  }
0x3a: {  	(tm) =	ssettm $0x7FFFFFFF  }
0x3b: {  	_ =	shalt  }
tec
execute0_lowered:
.L_overlay_start_1:
0x0: {  	(tag) =	ssettag $0x1  }
0x1: {  	s0 =	srdreg.scid  }
0x2: {  	s1 =	sshll.u32 s0, $0x4  }
0x3: {  	s0 =	stileid.u32;
	s1 =	sand.u32 $0x10, s1  }
0x4: {  	s1 =	sor.u32 s0, s1  }
0x5: {  	s6 =	rddreg [dreg:$0x0];
	s4 =	simm.s32 $0x1;
	s2 =	sshll.u32 s1, $0x7  }
0x6: {  	s7 =	simm.s32 $0x2;
	s12 =	simm.s32 $0x0;
	s1 =	ssub.s32 $0x1000, s2  }
0x7: {  	s8 =	simm.s32 $0x8000;
	s13 =	simm.s32 $0x0;
	s3 =	sand.u32 $0xF80, s1  }
0x8: {  	s9 =	simm.s32 $0x0;
	s5 =	sshrl.u32 s1, $0xC;
	p0 =	sne.s32 s3, $0x0  }
.Ltmp0:
0x9: {  	s1 =	rddreg [dreg:$0x2];
	s4 =	simm.s32 @!p0 $0x0;
	(pc) =	sbr.rel .LBB1_1-.Ltmp0, $4  }
0xa: {  	s11 =	simm.s32 $0x0;
	s3 =	rddreg [dreg:$0x1];
	s5 =	sadd.s32 s4, s5  }
0xb: {  	_ =	strace $0x8000004A;
	s4 =	simm.s32 $0x1;
	s5 =	smul.u32 $0xC8, s5  }
0xc: {  	s6 =	sadd.s32 $0xA00, s6;
	s10 =	smov.u32 s2;
	[sflag:s4] =	ssyncpa.u1 $0x0  }
0xd: {  	p0 =	por $0x0, $0x0;
	[sflag:s7] =	ssyncpa.u1 $0x0;
	s7 =	sor.u32 $0x1, s5  }
.LBB1_4:
0xe: {  	s16 =	sshll.u32 s13, $0x3;
	s17 =	sand.u32 $0x78, s13  }
0xf: {  	s30 =	sand.u32 $0x7E00, s13;
	s12 =	sshll.u32 s12, $0xF;
	s16 =	sand.u32 $0xC00, s16  }
0x10: {  	[tilespmem:s15+$0x810 ss:$0x81] =	vst.msk $0xffff, v2;
	s31 =	sand.u32 $0x7, s13;
	s16 =	sor.u32 s17, s16;
	s17 =	sadd.s32 s3, s30  }
0x11: {  	[tilespmem:s15+$0x1020 ss:$0x81] =	vst.msk $0xffff, v0;
	s13 =	sshll.u32 s31, $0x12;
	s12 =	sadd.s32 s12, s17;
	s16 =	sshrl.u32 s16, $0x3  }
0x12: {  	[tilespmem:s15+$0x0 ss:$0x81] =	vst.msk $0xffff, v1;
	s13 =	sor.u32 $0x400, s13;
	s12 =	sadd.s32 s16, s12  }
0x13: {  	[hbm4b:s12+s13] =	stream.strided.scatter [tilespmem:s14], [sflag:$0x2], $0x2000, s8, s13, $0x20;
	[tilespmem:$0x8080] =	vst v63  }
.LBB1_5:
0x14: {  	s14 =	sadd.s32 $0x1, s9  }
0x15: {  	s12 =	sadd.s32 $0x1000, s10;
	s16 =	smov.u32 s10;
	p2 =	sgt.s32 s14, $0xC7  }
0x16: {  	s16 =	smov.u32 @p2 s12  }
0x17: {  	s14 =	simm.s32 @p2 $0x0;
	p2 =	sgt.s32 s16, $0xFFF  }
0x18: {  	s16 =	smov.u32 @p2 s2;
	p2 =	sne.s32 s11, s7  }
.Ltmp1:
0x19: {  	p1 =	slt.u32 s11, $0x2;
	(pc) =	sbr.rel @!p2 .LBB1_6-.Ltmp1, $4  }
0x1a: {  	s15 =	simm.s32 @!p1 $0x2  }
0x1b: {  	s13 =	smov.u32 s10;
	p0 =	por !p0, !p0;
	_ =	swait.ge @!p1 [sflag:s15], $0x2000  }
0x1c: {  	s12 =	smov.u32 s9;
	[sflag:s15] =	ssyncset.done @!p1 $0x0;
	s9 =	smov.u32 s14  }
0x1d: {  	s11 =	sadd.s32 $0x1, s11;
	[sflag:s15] =	ssyncadd.s32 @!p1 $0xFFFFE000;
	s10 =	smov.u32 s16  }
.LBB1_1:
0x1e: {  	p1 =	sge.u32 s11, s5  }
0x1f: {  	s14 =	sand.u32 @!p1 $0x1FFFFFF, s9  }
0x20: {  	s15 =	smulhi.u32 @!p1 $0x147AE15, s14;
	_ =	sdelay $0x1  }
0x21: {  	s15 =	smul.u32 @!p1 $0xC8, s15  }
0x22: {  	s16 =	sxor.u32 @!p1 $0xFFFFFFFF, s11;
	s17 =	smul.u32 @!p1 $0xC80, s10  }
0x23: {  	s31 =	sadd.s32 $0xFFFFFFFF, s11;
	s16 =	sshll.u32 @!p1 s16, $0xD;
	s14 =	ssub.s32 @!p1 s14, s15  }
0x24: {  	s15 =	sand.u32 @!p1 $0x2000, s16;
	s16 =	sadd.s32 @!p1 s6, s17;
	s14 =	sshll.u32 @!p1 s14, $0x4  }
0x25: {  	s17 =	simm.s32 @!p1 $0x6400;
	s14 =	sadd.s32 @!p1 s14, s16;
	s16 =	simm.s32 @!p1 $0x40  }
0x26: {  	[tilespmem:s15], [sflag:$0x1] =	stream.strided.gather @!p1 [hbm4b:s14+s16], $0x2000, s17, s16, $0x38;
	[tilespmem:$0x8080] =	vst v63  }
0x27: {  	p1 =	sge.u32 s31, s5  }
.Ltmp2:
0x28: {  	_ = 	snop;
	(pc) =	sbr.rel @p1 .LBB1_5-.Ltmp2, $1  }
0x29: {  	_ =	sdelay $0x3  }
0x2a: {  	s14 =	simm.s32 $0x1  }
0x2b: {  	_ =	swait.ge [sflag:s4], $0x2000;
	s14 =	simm.s32 @!p0 $0x0  }
0x2c: {  	[sflag:s4] =	ssyncset.done $0x0;
	s15 =	sshll.u32 s14, $0xD  }
0x2d: {  	[sflag:s4] =	ssyncadd.s32 $0xFFFFE000;
	s18 =	sor.u32 $0x20, s15  }
0x2e: {  	s14 =	smul.u32 $0x8100, s14;
	v3 =	vld [tilespmem:s18+$0x10]  }
0x2f: {  	s30 =	sand.u32 $0x1, s11;
	v2 =	vld [tilespmem:s18+$0xFFFFFFF0]  }
0x30: {  	s15 =	smul.u32 $0x8100, s30;
	s14 =	sshrl.u32 s14, $0x2;
	v0 =	vld [tilespmem:s18+$0x0]  }
0x31: {  	v1 =	vld [tilespmem:s18+$0xFFFFFFE0];
	s16 =	sor.u32 $0x4000, s14  }
0x32: {  	s31 =	sshrl.u32 s15, $0x2;
	s15 =	sadd.s32 $0x0, s16  }
0x33: {  	s17 =	simm.s32 $0x4;
	s18 =	sadd.s32 $0x40, s18;
	s14 =	sor.u32 $0x4000, s31;
	[tilespmem:s15+$0x1830 ss:$0x81] =	vst.msk $0xffff, v3  }
.LBB1_3:
0x34: {  	v3 =	vld [tilespmem:s18+$0x10];
	p1 =	sne.s32 s17, $0x1FC;
	[tilespmem:s15+$0x810 ss:$0x81] =	vst.msk $0xffff, v2;
	s19 =	smov.u32 s17;
	s17 =	sadd.s32 $0x4, s17  }
.Ltmp3:
0x35: {  	v2 =	vld [tilespmem:s18+$0xFFFFFFF0];
	[tilespmem:s15+$0x1020 ss:$0x81] =	vst.msk $0xffff, v0;
	(pc) =	sbr.rel @p1 .LBB1_3-.Ltmp3, $4  }
0x36: {  	v0 =	vld [tilespmem:s18+$0x0];
	[tilespmem:s15+$0x0 ss:$0x81] =	vst.msk $0xffff, v1  }
0x37: {  	s15 =	sshra.s32 s19, $0x2;
	v1 =	vld [tilespmem:s18+$0xFFFFFFE0]  }
0x38: {  	s15 =	sadd.s32 s15, s16  }
0x39: {  	s18 =	sadd.s32 $0x40, s18;
	[tilespmem:s15+$0x1830 ss:$0x81] =	vst.msk $0xffff, v3  }
.Ltmp4:
0x3a: {  	_ = 	snop;
	(pc) =	sbr.rel .LBB1_4-.Ltmp4, $1  }
0x3b: {  	_ =	sdelay $0x3  }
.LBB1_6:
0x3c: {  	_ =	sfence.sel $0x180000  }
0x3d: {  	s2 =	simm.s32 $0x1;
	[bflag:$0x0] =	sbarrier.arrive $0xFFFF  }
0x3e: {  	s31 =	simm.s32 $0x2;
	[sflag:s2] =	ssyncpa.u1 $0x1  }
0x3f: {  	[sflag:s31] =	ssyncpa.u1 $0x1  }
0x40: {  	p0 =	sne.s32 s0, $0x0;
	_ =	strace $0x9000004A  }
0x41: {  	s0 =	sadd.s32 @!p0 $0x100000, s1;
	[bflag:$0x2] =	sbarrier.arrive $0xFFFF  }
0x42: {  	[sflag:s0] =	ssyncadd.tile.s32 @!p0 $0x1;
	_ =	shalt  }
.Lfunc_end1:
_tile_overlayer_lowered:
.L_overlay_start_2:
0x43: {  	(tag) =	ssettag $0x2  }
0x44: {  	s0 =	rddreg [dreg:$0x0];
	s2 =	stileid.u32  }
0x45: {  	s1 =	rddreg [dreg:$0x1];
	p0 =	sne.s32 s2, $0x0  }
0x46: {  	s3 =	rddreg [dreg:$0x2];
	[bflag:$0x3] =	sbarrier.arrive $0xFFFF;
	s2 =	simm.s32 @!p0 $0x1C01  }
0x47: {  	[timem:s3], [sflag:s2] =	dma.local @!p0 [hbm:s0], s1  }
0x48: {  	s0 =	simm.s32 @!p0 $0x1  }
0x49: {  	_ =	swait.ge @!p0 [sflag:s0], s1  }
0x4a: {  	s1 =	ssub.s32 @!p0 $0x0, s1;
	[sflag:s0] =	ssyncset.done @!p0 $0x0  }
0x4b: {  	[sflag:s0] =	ssyncadd.s32 @!p0 s1  }
0x4c: {  	[bflag:$0x3] =	sbarrier.arrive $0xFFFF  }
0x4d: {  	_ =	shalt  }

</sc_bundles>
